<compile_context>
chip_gen: v7x
topology: tpu7x:2x2x1
jax: 0.10.2.dev20260603
libtpu: 0.0.44.dev20260713+nightly
codegen_flags: <defaults>
</compile_context>

<pallas_src>
import functools

import jax
import jax.numpy as jnp
from jax import lax
from jax.experimental import pallas as pl
from jax.experimental.pallas import tpu as pltpu
from jax.experimental.pallas import tpu_sc as plsc

_B = 4
_L = 8192
_D = 1024
_N = _B * _L
_NC = 2
_NS = 16
_NW = _NC * _NS
_PER_W = _N // _NW
_CHUNK = 32
_NCHUNK = _PER_W // _CHUNK

_mesh = plsc.VectorSubcoreMesh(core_axis_name="c", subcore_axis_name="s")


@functools.partial(
    pl.kernel,
    mesh=_mesh,
    out_type=jax.ShapeDtypeStruct((_N, _D), jnp.float32),
    scratch_types=[
        pltpu.VMEM((_PER_W,), jnp.int32),
        pltpu.VMEM((_CHUNK, _D), jnp.float32),
        pltpu.VMEM((_CHUNK, _D), jnp.float32),
        pltpu.VMEM((_CHUNK, _D), jnp.float32),
        pltpu.SemaphoreType.DMA,
        pltpu.SemaphoreType.DMA,
        pltpu.SemaphoreType.DMA,
        pltpu.SemaphoreType.DMA,
        pltpu.SemaphoreType.DMA,
        pltpu.SemaphoreType.DMA,
    ],
)
def _gather_rows(idx_hbm, table_hbm, out_hbm, idx_v, rows0, rows1, rows2,
                 gsem0, gsem1, gsem2, osem0, osem1, osem2):
    wid = lax.axis_index("s") * _NC + lax.axis_index("c")
    base = wid * _PER_W

    rows = (rows0, rows1, rows2)
    gs = (gsem0, gsem1, gsem2)
    os_ = (osem0, osem1, osem2)

    pltpu.sync_copy(idx_hbm.at[pl.ds(base, _PER_W)], idx_v)

    def gather(i, b):
        pltpu.async_copy(
            table_hbm.at[idx_v.at[pl.ds(i * _CHUNK, _CHUNK)]], rows[b], gs[b])

    def wait_gather(b):
        pltpu.make_async_copy(
            table_hbm.at[pl.ds(0, _CHUNK)], rows[b], gs[b]).wait()

    def put_out(i, b):
        pltpu.async_copy(
            rows[b], out_hbm.at[pl.ds(base + i * _CHUNK, _CHUNK)], os_[b])

    def wait_out(b):
        pltpu.make_async_copy(
            rows[b], out_hbm.at[pl.ds(0, _CHUNK)], os_[b]).wait()

    gather(0, 0)
    gather(1, 1)

    wait_gather(0)
    put_out(0, 0)
    gather(2, 2)

    def outer(k, carry):
        g = 1 + 3 * k
        for b in range(3):
            i = g + b
            bi = (1 + b) % 3
            bj = b
            wait_gather(bi)
            put_out(i, bi)
            wait_out(bj)
            gather(i + 2, bj)
        return carry

    lax.fori_loop(0, (_NCHUNK - 4) // 3, outer, 0)

    wait_gather(1)
    put_out(_NCHUNK - 4, 1)
    wait_out(0)
    gather(_NCHUNK - 2, 0)
    wait_gather(2)
    put_out(_NCHUNK - 3, 2)
    wait_out(1)
    gather(_NCHUNK - 1, 1)
    wait_gather(0)
    put_out(_NCHUNK - 2, 0)
    wait_gather(1)
    put_out(_NCHUNK - 1, 1)
    wait_out(2)
    wait_out(0)
    wait_out(1)


def kernel(x, posn_embedding):
    idx = x.reshape(-1).astype(jnp.int32)
    out = _gather_rows(idx, posn_embedding)
    return out.reshape(x.shape + (posn_embedding.shape[-1],))

# --- scband reference (transcript-rebuilt; emitter-appended) ---
"""Pipeline reference for scband-bart-learned-positional-embedding-47201690583359 (READ-ONLY COPY).

The authoritative reference and input builder live on the scoring server;
editing this copy changes nothing except your own understanding.
"""

import jax, jax.numpy as jnp
import numpy as np

SEQLEN = 8192
EMBED = 1024
BATCH = 4
LEN = 8192

def setup_inputs(seed: int = 0) -> dict:
    key = jax.random.key(seed)
    k1, k2 = jax.random.split(key)
    x = jax.random.randint(k1, (BATCH, LEN), 0, SEQLEN, dtype=jnp.int64 if jax.config.jax_enable_x64 else jnp.int32)
    posn_embedding = jax.random.normal(k2, (SEQLEN, EMBED), dtype=jnp.float32)
    return {"x": x, "posn_embedding": posn_embedding}

def reference(x, posn_embedding):
    # nn.Embedding lookup: gather rows of the table by index
    return jnp.take(posn_embedding, x, axis=0)

if __name__ == "__main__":
    import jax
    _d = setup_inputs()
    print(jax.jit(kernel)(*tuple(_d.values())))

</pallas_src>

<mosaic_0001>
#map = affine_map<(d0, d1) -> (0)>
#map1 = affine_map<(d0, d1) -> (0, 0)>
module attributes {stable_mosaic.version = 14 : i64} {
  func.func @_gather_rows(%arg0: i32, %arg1: i32, %arg2: memref<32768xi32, #tpu.memory_space<hbm>>, %arg3: memref<8192x1024xf32, #tpu.memory_space<hbm>>, %arg4: memref<32768x1024xf32, #tpu.memory_space<hbm>>, %arg5: memref<1024xi32, #tpu.memory_space<vmem>>, %arg6: memref<32x1024xf32, #tpu.memory_space<vmem>>, %arg7: memref<32x1024xf32, #tpu.memory_space<vmem>>, %arg8: memref<32x1024xf32, #tpu.memory_space<vmem>>, %arg9: memref<!tpu.dma_semaphore, #tpu.memory_space<semaphore_mem>>, %arg10: memref<!tpu.dma_semaphore, #tpu.memory_space<semaphore_mem>>, %arg11: memref<!tpu.dma_semaphore, #tpu.memory_space<semaphore_mem>>, %arg12: memref<!tpu.dma_semaphore, #tpu.memory_space<semaphore_mem>>, %arg13: memref<!tpu.dma_semaphore, #tpu.memory_space<semaphore_mem>>, %arg14: memref<!tpu.dma_semaphore, #tpu.memory_space<semaphore_mem>>) attributes {dimension_semantics = [#tpu.dimension_semantics<core_parallel>, #tpu.dimension_semantics<subcore_parallel>], iteration_bounds = array<i64: 2, 16>, scalar_prefetch = 0 : i64, scratch_operands = 10 : i64, tpu.core_type = #tpu.core_type<sc_vector_subcore>, window_params = [{transform_indices = #map}, {transform_indices = #map1}, {transform_indices = #map1}]} {
    %mul3A = arith.constant 2 : i32
    %mul3A_0 = arith.muli %arg1, %mul3A : i32
    %add3A = arith.addi %mul3A_0, %arg0 : i32
    %mul3A_1 = arith.constant 1024 : i32
    %mul3A_2 = arith.muli %add3A, %mul3A_1 : i32
    "tpu.region"() ({
      %run_scoped3A = tpu.sem_alloc : memref<!tpu.dma_semaphore, #tpu.memory_space<semaphore_mem>>
      %dma_start3A_121 = tpu.memref_slice %arg2[%mul3A_2] : memref<32768xi32, #tpu.memory_space<hbm>> -> memref<1024xi32, #tpu.memory_space<hbm>>
      %dma_start3A_122 = tpu.memref_slice %arg2[%mul3A_2] : memref<32768xi32, #tpu.memory_space<hbm>> -> memref<1024xi32, #tpu.memory_space<hbm>>
      tpu.enqueue_dma source(%dma_start3A_122 : memref<1024xi32, #tpu.memory_space<hbm>>) target(%arg5 : memref<1024xi32, #tpu.memory_space<vmem>>) target_semaphore(%run_scoped3A : memref<!tpu.dma_semaphore, #tpu.memory_space<semaphore_mem>>)
      %dma_wait3A_123 = tpu.memref_slice %arg2[%mul3A_2] : memref<32768xi32, #tpu.memory_space<hbm>> -> memref<1024xi32, #tpu.memory_space<hbm>>
      %dma_wait3A_124 = tpu.memref_slice %arg2[%mul3A_2] : memref<32768xi32, #tpu.memory_space<hbm>> -> memref<1024xi32, #tpu.memory_space<hbm>>
      tpu.wait_dma2 semaphore(%run_scoped3A : memref<!tpu.dma_semaphore, #tpu.memory_space<semaphore_mem>>) src(%dma_wait3A_124 : memref<1024xi32, #tpu.memory_space<hbm>>) dst(%arg5 : memref<1024xi32, #tpu.memory_space<vmem>>)
      tpu.yield
    }) : () -> ()
    %dma_start3A = arith.constant 0 : i32
    %dma_start3A_3 = tpu.memref_slice %arg5[%dma_start3A] : memref<1024xi32, #tpu.memory_space<vmem>> -> memref<32xi32, #tpu.memory_space<vmem>>
    %dma_start3A_4 = arith.constant 0 : i32
    %dma_start3A_5 = arith.constant 0 : i32
    %dma_start3A_6 = tpu.memref_slice %arg3[%dma_start3A_4, %dma_start3A_5] : memref<8192x1024xf32, #tpu.memory_space<hbm>> -> memref<8192x1024xf32, #tpu.memory_space<hbm>>
    tpu.enqueue_indirect_dma source(%dma_start3A_6 : memref<8192x1024xf32, #tpu.memory_space<hbm>>) target(%arg6 : memref<32x1024xf32, #tpu.memory_space<vmem>>) offsets(%dma_start3A_3 : memref<32xi32, #tpu.memory_space<vmem>>) semaphore(%arg9 : memref<!tpu.dma_semaphore, #tpu.memory_space<semaphore_mem>>)
    %dma_start3A_7 = arith.constant 32 : i32
    %dma_start3A_8 = tpu.memref_slice %arg5[%dma_start3A_7] : memref<1024xi32, #tpu.memory_space<vmem>> -> memref<32xi32, #tpu.memory_space<vmem>>
    %dma_start3A_9 = arith.constant 0 : i32
    %dma_start3A_10 = arith.constant 0 : i32
    %dma_start3A_11 = tpu.memref_slice %arg3[%dma_start3A_9, %dma_start3A_10] : memref<8192x1024xf32, #tpu.memory_space<hbm>> -> memref<8192x1024xf32, #tpu.memory_space<hbm>>
    tpu.enqueue_indirect_dma source(%dma_start3A_11 : memref<8192x1024xf32, #tpu.memory_space<hbm>>) target(%arg7 : memref<32x1024xf32, #tpu.memory_space<vmem>>) offsets(%dma_start3A_8 : memref<32xi32, #tpu.memory_space<vmem>>) semaphore(%arg10 : memref<!tpu.dma_semaphore, #tpu.memory_space<semaphore_mem>>)
    %dma_wait3A = arith.constant 0 : i32
    %dma_wait3A_12 = arith.constant 0 : i32
    %dma_wait3A_13 = tpu.memref_slice %arg3[%dma_wait3A, %dma_wait3A_12] : memref<8192x1024xf32, #tpu.memory_space<hbm>> -> memref<32x1024xf32, #tpu.memory_space<hbm>>
    %dma_wait3A_14 = arith.constant 0 : i32
    %dma_wait3A_15 = arith.constant 0 : i32
    %dma_wait3A_16 = tpu.memref_slice %arg3[%dma_wait3A_14, %dma_wait3A_15] : memref<8192x1024xf32, #tpu.memory_space<hbm>> -> memref<32x1024xf32, #tpu.memory_space<hbm>>
    tpu.wait_dma2 semaphore(%arg9 : memref<!tpu.dma_semaphore, #tpu.memory_space<semaphore_mem>>) src(%dma_wait3A_16 : memref<32x1024xf32, #tpu.memory_space<hbm>>) dst(%arg6 : memref<32x1024xf32, #tpu.memory_space<vmem>>)
    %add3A_17 = arith.constant 0 : i32
    %add3A_18 = arith.addi %mul3A_2, %add3A_17 : i32
    %dma_start3A_19 = arith.constant 0 : i32
    %dma_start3A_20 = tpu.memref_slice %arg4[%add3A_18, %dma_start3A_19] : memref<32768x1024xf32, #tpu.memory_space<hbm>> -> memref<32x1024xf32, #tpu.memory_space<hbm>>
    %dma_start3A_21 = arith.constant 0 : i32
    %dma_start3A_22 = tpu.memref_slice %arg4[%add3A_18, %dma_start3A_21] : memref<32768x1024xf32, #tpu.memory_space<hbm>> -> memref<32x1024xf32, #tpu.memory_space<hbm>>
    tpu.enqueue_dma source(%arg6 : memref<32x1024xf32, #tpu.memory_space<vmem>>) target(%dma_start3A_22 : memref<32x1024xf32, #tpu.memory_space<hbm>>) target_semaphore(%arg12 : memref<!tpu.dma_semaphore, #tpu.memory_space<semaphore_mem>>)
    %dma_start3A_23 = arith.constant 64 : i32
    %dma_start3A_24 = tpu.memref_slice %arg5[%dma_start3A_23] : memref<1024xi32, #tpu.memory_space<vmem>> -> memref<32xi32, #tpu.memory_space<vmem>>
    %dma_start3A_25 = arith.constant 0 : i32
    %dma_start3A_26 = arith.constant 0 : i32
    %dma_start3A_27 = tpu.memref_slice %arg3[%dma_start3A_25, %dma_start3A_26] : memref<8192x1024xf32, #tpu.memory_space<hbm>> -> memref<8192x1024xf32, #tpu.memory_space<hbm>>
    tpu.enqueue_indirect_dma source(%dma_start3A_27 : memref<8192x1024xf32, #tpu.memory_space<hbm>>) target(%arg8 : memref<32x1024xf32, #tpu.memory_space<vmem>>) offsets(%dma_start3A_24 : memref<32xi32, #tpu.memory_space<vmem>>) semaphore(%arg11 : memref<!tpu.dma_semaphore, #tpu.memory_space<semaphore_mem>>)
    %scan3A = arith.constant 0 : i32
    %scan3A_28 = arith.constant 0 : i32
    %scan3A_29 = arith.constant 9 : i32
    %scan3A_30 = arith.addi %scan3A_28, %scan3A_29 : i32
    %scan3A_31 = arith.constant 1 : i32
    scf.for %scan3A_121 = %scan3A_28 to %scan3A_30 step %scan3A_31  : i32 {
      %mul3A_122 = arith.constant 3 : i32
      %mul3A_123 = arith.muli %mul3A_122, %scan3A_121 : i32
      %add3A_124 = arith.constant 1 : i32
      %add3A_125 = arith.addi %add3A_124, %mul3A_123 : i32
      %add3A_126 = arith.constant 0 : i32
      %add3A_127 = arith.addi %add3A_125, %add3A_126 : i32
      %dma_wait3A_128 = arith.constant 0 : i32
      %dma_wait3A_129 = arith.constant 0 : i32
      %dma_wait3A_130 = tpu.memref_slice %arg3[%dma_wait3A_128, %dma_wait3A_129] : memref<8192x1024xf32, #tpu.memory_space<hbm>> -> memref<32x1024xf32, #tpu.memory_space<hbm>>
      %dma_wait3A_131 = arith.constant 0 : i32
      %dma_wait3A_132 = arith.constant 0 : i32
      %dma_wait3A_133 = tpu.memref_slice %arg3[%dma_wait3A_131, %dma_wait3A_132] : memref<8192x1024xf32, #tpu.memory_space<hbm>> -> memref<32x1024xf32, #tpu.memory_space<hbm>>
      tpu.wait_dma2 semaphore(%arg10 : memref<!tpu.dma_semaphore, #tpu.memory_space<semaphore_mem>>) src(%dma_wait3A_133 : memref<32x1024xf32, #tpu.memory_space<hbm>>) dst(%arg7 : memref<32x1024xf32, #tpu.memory_space<vmem>>)
      %mul3A_134 = arith.constant 32 : i32
      %mul3A_135 = arith.muli %add3A_127, %mul3A_134 : i32
      %add3A_136 = arith.addi %mul3A_2, %mul3A_135 : i32
      %dma_start3A_137 = arith.constant 0 : i32
      %dma_start3A_138 = tpu.memref_slice %arg4[%add3A_136, %dma_start3A_137] : memref<32768x1024xf32, #tpu.memory_space<hbm>> -> memref<32x1024xf32, #tpu.memory_space<hbm>>
      %dma_start3A_139 = arith.constant 0 : i32
      %dma_start3A_140 = tpu.memref_slice %arg4[%add3A_136, %dma_start3A_139] : memref<32768x1024xf32, #tpu.memory_space<hbm>> -> memref<32x1024xf32, #tpu.memory_space<hbm>>
      tpu.enqueue_dma source(%arg7 : memref<32x1024xf32, #tpu.memory_space<vmem>>) target(%dma_start3A_140 : memref<32x1024xf32, #tpu.memory_space<hbm>>) target_semaphore(%arg13 : memref<!tpu.dma_semaphore, #tpu.memory_space<semaphore_mem>>)
      %dma_wait3A_141 = arith.constant 0 : i32
      %dma_wait3A_142 = arith.constant 0 : i32
      %dma_wait3A_143 = tpu.memref_slice %arg4[%dma_wait3A_141, %dma_wait3A_142] : memref<32768x1024xf32, #tpu.memory_space<hbm>> -> memref<32x1024xf32, #tpu.memory_space<hbm>>
      %dma_wait3A_144 = arith.constant 0 : i32
      %dma_wait3A_145 = arith.constant 0 : i32
      %dma_wait3A_146 = tpu.memref_slice %arg4[%dma_wait3A_144, %dma_wait3A_145] : memref<32768x1024xf32, #tpu.memory_space<hbm>> -> memref<32x1024xf32, #tpu.memory_space<hbm>>
      tpu.wait_dma2 semaphore(%arg12 : memref<!tpu.dma_semaphore, #tpu.memory_space<semaphore_mem>>) src(%arg6 : memref<32x1024xf32, #tpu.memory_space<vmem>>) dst(%dma_wait3A_146 : memref<32x1024xf32, #tpu.memory_space<hbm>>)
      %add3A_147 = arith.constant 2 : i32
      %add3A_148 = arith.addi %add3A_127, %add3A_147 : i32
      %mul3A_149 = arith.constant 32 : i32
      %mul3A_150 = arith.muli %add3A_148, %mul3A_149 : i32
      %dma_start3A_151 = tpu.memref_slice %arg5[%mul3A_150] : memref<1024xi32, #tpu.memory_space<vmem>> -> memref<32xi32, #tpu.memory_space<vmem>>
      %dma_start3A_152 = arith.constant 0 : i32
      %dma_start3A_153 = arith.constant 0 : i32
      %dma_start3A_154 = tpu.memref_slice %arg3[%dma_start3A_152, %dma_start3A_153] : memref<8192x1024xf32, #tpu.memory_space<hbm>> -> memref<8192x1024xf32, #tpu.memory_space<hbm>>
      tpu.enqueue_indirect_dma source(%dma_start3A_154 : memref<8192x1024xf32, #tpu.memory_space<hbm>>) target(%arg6 : memref<32x1024xf32, #tpu.memory_space<vmem>>) offsets(%dma_start3A_151 : memref<32xi32, #tpu.memory_space<vmem>>) semaphore(%arg9 : memref<!tpu.dma_semaphore, #tpu.memory_space<semaphore_mem>>)
      %add3A_155 = arith.constant 1 : i32
      %add3A_156 = arith.addi %add3A_125, %add3A_155 : i32
      %dma_wait3A_157 = arith.constant 0 : i32
      %dma_wait3A_158 = arith.constant 0 : i32
      %dma_wait3A_159 = tpu.memref_slice %arg3[%dma_wait3A_157, %dma_wait3A_158] : memref<8192x1024xf32, #tpu.memory_space<hbm>> -> memref<32x1024xf32, #tpu.memory_space<hbm>>
      %dma_wait3A_160 = arith.constant 0 : i32
      %dma_wait3A_161 = arith.constant 0 : i32
      %dma_wait3A_162 = tpu.memref_slice %arg3[%dma_wait3A_160, %dma_wait3A_161] : memref<8192x1024xf32, #tpu.memory_space<hbm>> -> memref<32x1024xf32, #tpu.memory_space<hbm>>
      tpu.wait_dma2 semaphore(%arg11 : memref<!tpu.dma_semaphore, #tpu.memory_space<semaphore_mem>>) src(%dma_wait3A_162 : memref<32x1024xf32, #tpu.memory_space<hbm>>) dst(%arg8 : memref<32x1024xf32, #tpu.memory_space<vmem>>)
      %mul3A_163 = arith.constant 32 : i32
      %mul3A_164 = arith.muli %add3A_156, %mul3A_163 : i32
      %add3A_165 = arith.addi %mul3A_2, %mul3A_164 : i32
      %dma_start3A_166 = arith.constant 0 : i32
      %dma_start3A_167 = tpu.memref_slice %arg4[%add3A_165, %dma_start3A_166] : memref<32768x1024xf32, #tpu.memory_space<hbm>> -> memref<32x1024xf32, #tpu.memory_space<hbm>>
      %dma_start3A_168 = arith.constant 0 : i32
      %dma_start3A_169 = tpu.memref_slice %arg4[%add3A_165, %dma_start3A_168] : memref<32768x1024xf32, #tpu.memory_space<hbm>> -> memref<32x1024xf32, #tpu.memory_space<hbm>>
      tpu.enqueue_dma source(%arg8 : memref<32x1024xf32, #tpu.memory_space<vmem>>) target(%dma_start3A_169 : memref<32x1024xf32, #tpu.memory_space<hbm>>) target_semaphore(%arg14 : memref<!tpu.dma_semaphore, #tpu.memory_space<semaphore_mem>>)
      %dma_wait3A_170 = arith.constant 0 : i32
      %dma_wait3A_171 = arith.constant 0 : i32
      %dma_wait3A_172 = tpu.memref_slice %arg4[%dma_wait3A_170, %dma_wait3A_171] : memref<32768x1024xf32, #tpu.memory_space<hbm>> -> memref<32x1024xf32, #tpu.memory_space<hbm>>
      %dma_wait3A_173 = arith.constant 0 : i32
      %dma_wait3A_174 = arith.constant 0 : i32
      %dma_wait3A_175 = tpu.memref_slice %arg4[%dma_wait3A_173, %dma_wait3A_174] : memref<32768x1024xf32, #tpu.memory_space<hbm>> -> memref<32x1024xf32, #tpu.memory_space<hbm>>
      tpu.wait_dma2 semaphore(%arg13 : memref<!tpu.dma_semaphore, #tpu.memory_space<semaphore_mem>>) src(%arg7 : memref<32x1024xf32, #tpu.memory_space<vmem>>) dst(%dma_wait3A_175 : memref<32x1024xf32, #tpu.memory_space<hbm>>)
      %add3A_176 = arith.constant 2 : i32
      %add3A_177 = arith.addi %add3A_156, %add3A_176 : i32
      %mul3A_178 = arith.constant 32 : i32
      %mul3A_179 = arith.muli %add3A_177, %mul3A_178 : i32
      %dma_start3A_180 = tpu.memref_slice %arg5[%mul3A_179] : memref<1024xi32, #tpu.memory_space<vmem>> -> memref<32xi32, #tpu.memory_space<vmem>>
      %dma_start3A_181 = arith.constant 0 : i32
      %dma_start3A_182 = arith.constant 0 : i32
      %dma_start3A_183 = tpu.memref_slice %arg3[%dma_start3A_181, %dma_start3A_182] : memref<8192x1024xf32, #tpu.memory_space<hbm>> -> memref<8192x1024xf32, #tpu.memory_space<hbm>>
      tpu.enqueue_indirect_dma source(%dma_start3A_183 : memref<8192x1024xf32, #tpu.memory_space<hbm>>) target(%arg7 : memref<32x1024xf32, #tpu.memory_space<vmem>>) offsets(%dma_start3A_180 : memref<32xi32, #tpu.memory_space<vmem>>) semaphore(%arg10 : memref<!tpu.dma_semaphore, #tpu.memory_space<semaphore_mem>>)
      %add3A_184 = arith.constant 2 : i32
      %add3A_185 = arith.addi %add3A_125, %add3A_184 : i32
      %dma_wait3A_186 = arith.constant 0 : i32
      %dma_wait3A_187 = arith.constant 0 : i32
      %dma_wait3A_188 = tpu.memref_slice %arg3[%dma_wait3A_186, %dma_wait3A_187] : memref<8192x1024xf32, #tpu.memory_space<hbm>> -> memref<32x1024xf32, #tpu.memory_space<hbm>>
      %dma_wait3A_189 = arith.constant 0 : i32
      %dma_wait3A_190 = arith.constant 0 : i32
      %dma_wait3A_191 = tpu.memref_slice %arg3[%dma_wait3A_189, %dma_wait3A_190] : memref<8192x1024xf32, #tpu.memory_space<hbm>> -> memref<32x1024xf32, #tpu.memory_space<hbm>>
      tpu.wait_dma2 semaphore(%arg9 : memref<!tpu.dma_semaphore, #tpu.memory_space<semaphore_mem>>) src(%dma_wait3A_191 : memref<32x1024xf32, #tpu.memory_space<hbm>>) dst(%arg6 : memref<32x1024xf32, #tpu.memory_space<vmem>>)
      %mul3A_192 = arith.constant 32 : i32
      %mul3A_193 = arith.muli %add3A_185, %mul3A_192 : i32
      %add3A_194 = arith.addi %mul3A_2, %mul3A_193 : i32
      %dma_start3A_195 = arith.constant 0 : i32
      %dma_start3A_196 = tpu.memref_slice %arg4[%add3A_194, %dma_start3A_195] : memref<32768x1024xf32, #tpu.memory_space<hbm>> -> memref<32x1024xf32, #tpu.memory_space<hbm>>
      %dma_start3A_197 = arith.constant 0 : i32
      %dma_start3A_198 = tpu.memref_slice %arg4[%add3A_194, %dma_start3A_197] : memref<32768x1024xf32, #tpu.memory_space<hbm>> -> memref<32x1024xf32, #tpu.memory_space<hbm>>
      tpu.enqueue_dma source(%arg6 : memref<32x1024xf32, #tpu.memory_space<vmem>>) target(%dma_start3A_198 : memref<32x1024xf32, #tpu.memory_space<hbm>>) target_semaphore(%arg12 : memref<!tpu.dma_semaphore, #tpu.memory_space<semaphore_mem>>)
      %dma_wait3A_199 = arith.constant 0 : i32
      %dma_wait3A_200 = arith.constant 0 : i32
      %dma_wait3A_201 = tpu.memref_slice %arg4[%dma_wait3A_199, %dma_wait3A_200] : memref<32768x1024xf32, #tpu.memory_space<hbm>> -> memref<32x1024xf32, #tpu.memory_space<hbm>>
      %dma_wait3A_202 = arith.constant 0 : i32
      %dma_wait3A_203 = arith.constant 0 : i32
      %dma_wait3A_204 = tpu.memref_slice %arg4[%dma_wait3A_202, %dma_wait3A_203] : memref<32768x1024xf32, #tpu.memory_space<hbm>> -> memref<32x1024xf32, #tpu.memory_space<hbm>>
      tpu.wait_dma2 semaphore(%arg14 : memref<!tpu.dma_semaphore, #tpu.memory_space<semaphore_mem>>) src(%arg8 : memref<32x1024xf32, #tpu.memory_space<vmem>>) dst(%dma_wait3A_204 : memref<32x1024xf32, #tpu.memory_space<hbm>>)
      %add3A_205 = arith.constant 2 : i32
      %add3A_206 = arith.addi %add3A_185, %add3A_205 : i32
      %mul3A_207 = arith.constant 32 : i32
      %mul3A_208 = arith.muli %add3A_206, %mul3A_207 : i32
      %dma_start3A_209 = tpu.memref_slice %arg5[%mul3A_208] : memref<1024xi32, #tpu.memory_space<vmem>> -> memref<32xi32, #tpu.memory_space<vmem>>
      %dma_start3A_210 = arith.constant 0 : i32
      %dma_start3A_211 = arith.constant 0 : i32
      %dma_start3A_212 = tpu.memref_slice %arg3[%dma_start3A_210, %dma_start3A_211] : memref<8192x1024xf32, #tpu.memory_space<hbm>> -> memref<8192x1024xf32, #tpu.memory_space<hbm>>
      tpu.enqueue_indirect_dma source(%dma_start3A_212 : memref<8192x1024xf32, #tpu.memory_space<hbm>>) target(%arg8 : memref<32x1024xf32, #tpu.memory_space<vmem>>) offsets(%dma_start3A_209 : memref<32xi32, #tpu.memory_space<vmem>>) semaphore(%arg11 : memref<!tpu.dma_semaphore, #tpu.memory_space<semaphore_mem>>)
    }
    %scan3A_32 = arith.constant 9 : i32
    %dma_wait3A_33 = arith.constant 0 : i32
    %dma_wait3A_34 = arith.constant 0 : i32
    %dma_wait3A_35 = tpu.memref_slice %arg3[%dma_wait3A_33, %dma_wait3A_34] : memref<8192x1024xf32, #tpu.memory_space<hbm>> -> memref<32x1024xf32, #tpu.memory_space<hbm>>
    %dma_wait3A_36 = arith.constant 0 : i32
    %dma_wait3A_37 = arith.constant 0 : i32
    %dma_wait3A_38 = tpu.memref_slice %arg3[%dma_wait3A_36, %dma_wait3A_37] : memref<8192x1024xf32, #tpu.memory_space<hbm>> -> memref<32x1024xf32, #tpu.memory_space<hbm>>
    tpu.wait_dma2 semaphore(%arg10 : memref<!tpu.dma_semaphore, #tpu.memory_space<semaphore_mem>>) src(%dma_wait3A_38 : memref<32x1024xf32, #tpu.memory_space<hbm>>) dst(%arg7 : memref<32x1024xf32, #tpu.memory_space<vmem>>)
    %add3A_39 = arith.constant 896 : i32
    %add3A_40 = arith.addi %mul3A_2, %add3A_39 : i32
    %dma_start3A_41 = arith.constant 0 : i32
    %dma_start3A_42 = tpu.memref_slice %arg4[%add3A_40, %dma_start3A_41] : memref<32768x1024xf32, #tpu.memory_space<hbm>> -> memref<32x1024xf32, #tpu.memory_space<hbm>>
    %dma_start3A_43 = arith.constant 0 : i32
    %dma_start3A_44 = tpu.memref_slice %arg4[%add3A_40, %dma_start3A_43] : memref<32768x1024xf32, #tpu.memory_space<hbm>> -> memref<32x1024xf32, #tpu.memory_space<hbm>>
    tpu.enqueue_dma source(%arg7 : memref<32x1024xf32, #tpu.memory_space<vmem>>) target(%dma_start3A_44 : memref<32x1024xf32, #tpu.memory_space<hbm>>) target_semaphore(%arg13 : memref<!tpu.dma_semaphore, #tpu.memory_space<semaphore_mem>>)
    %dma_wait3A_45 = arith.constant 0 : i32
    %dma_wait3A_46 = arith.constant 0 : i32
    %dma_wait3A_47 = tpu.memref_slice %arg4[%dma_wait3A_45, %dma_wait3A_46] : memref<32768x1024xf32, #tpu.memory_space<hbm>> -> memref<32x1024xf32, #tpu.memory_space<hbm>>
    %dma_wait3A_48 = arith.constant 0 : i32
    %dma_wait3A_49 = arith.constant 0 : i32
    %dma_wait3A_50 = tpu.memref_slice %arg4[%dma_wait3A_48, %dma_wait3A_49] : memref<32768x1024xf32, #tpu.memory_space<hbm>> -> memref<32x1024xf32, #tpu.memory_space<hbm>>
    tpu.wait_dma2 semaphore(%arg12 : memref<!tpu.dma_semaphore, #tpu.memory_space<semaphore_mem>>) src(%arg6 : memref<32x1024xf32, #tpu.memory_space<vmem>>) dst(%dma_wait3A_50 : memref<32x1024xf32, #tpu.memory_space<hbm>>)
    %dma_start3A_51 = arith.constant 960 : i32
    %dma_start3A_52 = tpu.memref_slice %arg5[%dma_start3A_51] : memref<1024xi32, #tpu.memory_space<vmem>> -> memref<32xi32, #tpu.memory_space<vmem>>
    %dma_start3A_53 = arith.constant 0 : i32
    %dma_start3A_54 = arith.constant 0 : i32
    %dma_start3A_55 = tpu.memref_slice %arg3[%dma_start3A_53, %dma_start3A_54] : memref<8192x1024xf32, #tpu.memory_space<hbm>> -> memref<8192x1024xf32, #tpu.memory_space<hbm>>
    tpu.enqueue_indirect_dma source(%dma_start3A_55 : memref<8192x1024xf32, #tpu.memory_space<hbm>>) target(%arg6 : memref<32x1024xf32, #tpu.memory_space<vmem>>) offsets(%dma_start3A_52 : memref<32xi32, #tpu.memory_space<vmem>>) semaphore(%arg9 : memref<!tpu.dma_semaphore, #tpu.memory_space<semaphore_mem>>)
    %dma_wait3A_56 = arith.constant 0 : i32
    %dma_wait3A_57 = arith.constant 0 : i32
    %dma_wait3A_58 = tpu.memref_slice %arg3[%dma_wait3A_56, %dma_wait3A_57] : memref<8192x1024xf32, #tpu.memory_space<hbm>> -> memref<32x1024xf32, #tpu.memory_space<hbm>>
    %dma_wait3A_59 = arith.constant 0 : i32
    %dma_wait3A_60 = arith.constant 0 : i32
    %dma_wait3A_61 = tpu.memref_slice %arg3[%dma_wait3A_59, %dma_wait3A_60] : memref<8192x1024xf32, #tpu.memory_space<hbm>> -> memref<32x1024xf32, #tpu.memory_space<hbm>>
    tpu.wait_dma2 semaphore(%arg11 : memref<!tpu.dma_semaphore, #tpu.memory_space<semaphore_mem>>) src(%dma_wait3A_61 : memref<32x1024xf32, #tpu.memory_space<hbm>>) dst(%arg8 : memref<32x1024xf32, #tpu.memory_space<vmem>>)
    %add3A_62 = arith.constant 928 : i32
    %add3A_63 = arith.addi %mul3A_2, %add3A_62 : i32
    %dma_start3A_64 = arith.constant 0 : i32
    %dma_start3A_65 = tpu.memref_slice %arg4[%add3A_63, %dma_start3A_64] : memref<32768x1024xf32, #tpu.memory_space<hbm>> -> memref<32x1024xf32, #tpu.memory_space<hbm>>
    %dma_start3A_66 = arith.constant 0 : i32
    %dma_start3A_67 = tpu.memref_slice %arg4[%add3A_63, %dma_start3A_66] : memref<32768x1024xf32, #tpu.memory_space<hbm>> -> memref<32x1024xf32, #tpu.memory_space<hbm>>
    tpu.enqueue_dma source(%arg8 : memref<32x1024xf32, #tpu.memory_space<vmem>>) target(%dma_start3A_67 : memref<32x1024xf32, #tpu.memory_space<hbm>>) target_semaphore(%arg14 : memref<!tpu.dma_semaphore, #tpu.memory_space<semaphore_mem>>)
    %dma_wait3A_68 = arith.constant 0 : i32
    %dma_wait3A_69 = arith.constant 0 : i32
    %dma_wait3A_70 = tpu.memref_slice %arg4[%dma_wait3A_68, %dma_wait3A_69] : memref<32768x1024xf32, #tpu.memory_space<hbm>> -> memref<32x1024xf32, #tpu.memory_space<hbm>>
    %dma_wait3A_71 = arith.constant 0 : i32
    %dma_wait3A_72 = arith.constant 0 : i32
    %dma_wait3A_73 = tpu.memref_slice %arg4[%dma_wait3A_71, %dma_wait3A_72] : memref<32768x1024xf32, #tpu.memory_space<hbm>> -> memref<32x1024xf32, #tpu.memory_space<hbm>>
    tpu.wait_dma2 semaphore(%arg13 : memref<!tpu.dma_semaphore, #tpu.memory_space<semaphore_mem>>) src(%arg7 : memref<32x1024xf32, #tpu.memory_space<vmem>>) dst(%dma_wait3A_73 : memref<32x1024xf32, #tpu.memory_space<hbm>>)
    %dma_start3A_74 = arith.constant 992 : i32
    %dma_start3A_75 = tpu.memref_slice %arg5[%dma_start3A_74] : memref<1024xi32, #tpu.memory_space<vmem>> -> memref<32xi32, #tpu.memory_space<vmem>>
    %dma_start3A_76 = arith.constant 0 : i32
    %dma_start3A_77 = arith.constant 0 : i32
    %dma_start3A_78 = tpu.memref_slice %arg3[%dma_start3A_76, %dma_start3A_77] : memref<8192x1024xf32, #tpu.memory_space<hbm>> -> memref<8192x1024xf32, #tpu.memory_space<hbm>>
    tpu.enqueue_indirect_dma source(%dma_start3A_78 : memref<8192x1024xf32, #tpu.memory_space<hbm>>) target(%arg7 : memref<32x1024xf32, #tpu.memory_space<vmem>>) offsets(%dma_start3A_75 : memref<32xi32, #tpu.memory_space<vmem>>) semaphore(%arg10 : memref<!tpu.dma_semaphore, #tpu.memory_space<semaphore_mem>>)
    %dma_wait3A_79 = arith.constant 0 : i32
    %dma_wait3A_80 = arith.constant 0 : i32
    %dma_wait3A_81 = tpu.memref_slice %arg3[%dma_wait3A_79, %dma_wait3A_80] : memref<8192x1024xf32, #tpu.memory_space<hbm>> -> memref<32x1024xf32, #tpu.memory_space<hbm>>
    %dma_wait3A_82 = arith.constant 0 : i32
    %dma_wait3A_83 = arith.constant 0 : i32
    %dma_wait3A_84 = tpu.memref_slice %arg3[%dma_wait3A_82, %dma_wait3A_83] : memref<8192x1024xf32, #tpu.memory_space<hbm>> -> memref<32x1024xf32, #tpu.memory_space<hbm>>
    tpu.wait_dma2 semaphore(%arg9 : memref<!tpu.dma_semaphore, #tpu.memory_space<semaphore_mem>>) src(%dma_wait3A_84 : memref<32x1024xf32, #tpu.memory_space<hbm>>) dst(%arg6 : memref<32x1024xf32, #tpu.memory_space<vmem>>)
    %add3A_85 = arith.constant 960 : i32
    %add3A_86 = arith.addi %mul3A_2, %add3A_85 : i32
    %dma_start3A_87 = arith.constant 0 : i32
    %dma_start3A_88 = tpu.memref_slice %arg4[%add3A_86, %dma_start3A_87] : memref<32768x1024xf32, #tpu.memory_space<hbm>> -> memref<32x1024xf32, #tpu.memory_space<hbm>>
    %dma_start3A_89 = arith.constant 0 : i32
    %dma_start3A_90 = tpu.memref_slice %arg4[%add3A_86, %dma_start3A_89] : memref<32768x1024xf32, #tpu.memory_space<hbm>> -> memref<32x1024xf32, #tpu.memory_space<hbm>>
    tpu.enqueue_dma source(%arg6 : memref<32x1024xf32, #tpu.memory_space<vmem>>) target(%dma_start3A_90 : memref<32x1024xf32, #tpu.memory_space<hbm>>) target_semaphore(%arg12 : memref<!tpu.dma_semaphore, #tpu.memory_space<semaphore_mem>>)
    %dma_wait3A_91 = arith.constant 0 : i32
    %dma_wait3A_92 = arith.constant 0 : i32
    %dma_wait3A_93 = tpu.memref_slice %arg3[%dma_wait3A_91, %dma_wait3A_92] : memref<8192x1024xf32, #tpu.memory_space<hbm>> -> memref<32x1024xf32, #tpu.memory_space<hbm>>
    %dma_wait3A_94 = arith.constant 0 : i32
    %dma_wait3A_95 = arith.constant 0 : i32
    %dma_wait3A_96 = tpu.memref_slice %arg3[%dma_wait3A_94, %dma_wait3A_95] : memref<8192x1024xf32, #tpu.memory_space<hbm>> -> memref<32x1024xf32, #tpu.memory_space<hbm>>
    tpu.wait_dma2 semaphore(%arg10 : memref<!tpu.dma_semaphore, #tpu.memory_space<semaphore_mem>>) src(%dma_wait3A_96 : memref<32x1024xf32, #tpu.memory_space<hbm>>) dst(%arg7 : memref<32x1024xf32, #tpu.memory_space<vmem>>)
    %add3A_97 = arith.constant 992 : i32
    %add3A_98 = arith.addi %mul3A_2, %add3A_97 : i32
    %dma_start3A_99 = arith.constant 0 : i32
    %dma_start3A_100 = tpu.memref_slice %arg4[%add3A_98, %dma_start3A_99] : memref<32768x1024xf32, #tpu.memory_space<hbm>> -> memref<32x1024xf32, #tpu.memory_space<hbm>>
    %dma_start3A_101 = arith.constant 0 : i32
    %dma_start3A_102 = tpu.memref_slice %arg4[%add3A_98, %dma_start3A_101] : memref<32768x1024xf32, #tpu.memory_space<hbm>> -> memref<32x1024xf32, #tpu.memory_space<hbm>>
    tpu.enqueue_dma source(%arg7 : memref<32x1024xf32, #tpu.memory_space<vmem>>) target(%dma_start3A_102 : memref<32x1024xf32, #tpu.memory_space<hbm>>) target_semaphore(%arg13 : memref<!tpu.dma_semaphore, #tpu.memory_space<semaphore_mem>>)
    %dma_wait3A_103 = arith.constant 0 : i32
    %dma_wait3A_104 = arith.constant 0 : i32
    %dma_wait3A_105 = tpu.memref_slice %arg4[%dma_wait3A_103, %dma_wait3A_104] : memref<32768x1024xf32, #tpu.memory_space<hbm>> -> memref<32x1024xf32, #tpu.memory_space<hbm>>
    %dma_wait3A_106 = arith.constant 0 : i32
    %dma_wait3A_107 = arith.constant 0 : i32
    %dma_wait3A_108 = tpu.memref_slice %arg4[%dma_wait3A_106, %dma_wait3A_107] : memref<32768x1024xf32, #tpu.memory_space<hbm>> -> memref<32x1024xf32, #tpu.memory_space<hbm>>
    tpu.wait_dma2 semaphore(%arg14 : memref<!tpu.dma_semaphore, #tpu.memory_space<semaphore_mem>>) src(%arg8 : memref<32x1024xf32, #tpu.memory_space<vmem>>) dst(%dma_wait3A_108 : memref<32x1024xf32, #tpu.memory_space<hbm>>)
    %dma_wait3A_109 = arith.constant 0 : i32
    %dma_wait3A_110 = arith.constant 0 : i32
    %dma_wait3A_111 = tpu.memref_slice %arg4[%dma_wait3A_109, %dma_wait3A_110] : memref<32768x1024xf32, #tpu.memory_space<hbm>> -> memref<32x1024xf32, #tpu.memory_space<hbm>>
    %dma_wait3A_112 = arith.constant 0 : i32
    %dma_wait3A_113 = arith.constant 0 : i32
    %dma_wait3A_114 = tpu.memref_slice %arg4[%dma_wait3A_112, %dma_wait3A_113] : memref<32768x1024xf32, #tpu.memory_space<hbm>> -> memref<32x1024xf32, #tpu.memory_space<hbm>>
    tpu.wait_dma2 semaphore(%arg12 : memref<!tpu.dma_semaphore, #tpu.memory_space<semaphore_mem>>) src(%arg6 : memref<32x1024xf32, #tpu.memory_space<vmem>>) dst(%dma_wait3A_114 : memref<32x1024xf32, #tpu.memory_space<hbm>>)
    %dma_wait3A_115 = arith.constant 0 : i32
    %dma_wait3A_116 = arith.constant 0 : i32
    %dma_wait3A_117 = tpu.memref_slice %arg4[%dma_wait3A_115, %dma_wait3A_116] : memref<32768x1024xf32, #tpu.memory_space<hbm>> -> memref<32x1024xf32, #tpu.memory_space<hbm>>
    %dma_wait3A_118 = arith.constant 0 : i32
    %dma_wait3A_119 = arith.constant 0 : i32
    %dma_wait3A_120 = tpu.memref_slice %arg4[%dma_wait3A_118, %dma_wait3A_119] : memref<32768x1024xf32, #tpu.memory_space<hbm>> -> memref<32x1024xf32, #tpu.memory_space<hbm>>
    tpu.wait_dma2 semaphore(%arg13 : memref<!tpu.dma_semaphore, #tpu.memory_space<semaphore_mem>>) src(%arg7 : memref<32x1024xf32, #tpu.memory_space<vmem>>) dst(%dma_wait3A_120 : memref<32x1024xf32, #tpu.memory_space<hbm>>)
    return
  }
}

</mosaic_0001>

<sc_bundles>
// kernel: kernel.3.cloned.1.call-start
scs
__scs_entry_jumppad:
0x0: {  	(pc) =	sbr.rel $0x88, $3  }
0x1: {  	(tag) =	ssettag $0x0;
	lr =	simm.s32 $0x1  }
0x2: {  	[smem:$0x3F9F] =	sst lr;
	_ =	strace $0xD0000000  }
0x3: {  	_ = 	snop  }
0x4: {  	_ = 	snop  }
0x5: {  	_ = 	snop  }
0x6: {  	_ = 	snop  }
0x7: {  	_ = 	snop  }
__scs_overlays_trampoline_lowered:
0x8: {  	[smem:$0x3FAE] =	sst s0  }
0x9: {  	[smem:$0x3FAF] =	sst s1  }
0xa: {  	[smem:$0x3FB0] =	sst s2  }
0xb: {  	[smem:$0x3FB1] =	sst s3  }
0xc: {  	[smem:$0x3FB2] =	sst s4  }
0xd: {  	[smem:$0x3FB3] =	sst s5  }
0xe: {  	[smem:$0x3FB4] =	sst s6  }
0xf: {  	[smem:$0x3FB5] =	sst s7  }
0x10: {  	[smem:$0x3FB6] =	sst s8  }
0x11: {  	[smem:$0x3FB7] =	sst s9;
	s0 =	simm.s32 @!p0 $0x0  }
0x12: {  	s1 =	sld [smem:$0x3F9D];
	s0 =	simm.s32 @p0 $0x1  }
0x13: {  	[smem:$0x3FB8] =	sst s0;
	s0 =	simm.s32 @!p1 $0x0  }
0x14: {  	s2 =	sld [smem:$0x3F9C];
	s0 =	simm.s32 @p1 $0x1  }
0x15: {  	[smem:$0x3FB9] =	sst s0;
	s0 =	simm.s32 @!p2 $0x0  }
0x16: {  	s3 =	sld [smem:$0x3FDB];
	s0 =	simm.s32 @p2 $0x1  }
0x17: {  	s4 =	simm.s32 $0x1BF5;
	[smem:$0x3FBB] =	sst s0  }
0x18: {  	s0 =	sld [smem:$0x3F9E];
	_ =	swait.ge [sflag:s4], $0x0  }
0x19: {  	s7 =	sld [smem:$0x3F9F]  }
0x1a: {  	s8 =	sadd.s32 $0xFFFFE003, lr  }
0x1b: {  	s9 =	sadd.s32 $0xFFFFFEF7, lr;
	s5 =	simm.s32 $0xFFFFFFFF;
	p2 =	slt.u32 s8, $0xFFFFF086  }
0x1c: {  	p1 =	slt.u32 s9, $0xF7A;
	s5 =	simm.s32 @!p2 $0x0  }
0x1d: {  	s5 =	simm.s32 @p1 $0x1;
	p0 =	seq.s32 s7, s2  }
0x1e: {  	s7 =	smul.u32 @!p0 $0xF7A, s2;
	p2 =	seq.s32 @!p0 s5, $0x0  }
0x1f: {  	s9 =	smul.u32 $0xF7A, s1;
	s8 =	simm.s32 @!p0 $0x1BF5;
	p2 =	por !p2, p0  }
0x20: {  	[sflag:s8] =	ssyncset.s32 @!p0 $0xFFFFF086;
	s6 =	sadd.s32 @!p0 s3, s7;
	s7 =	simm.s32 @!p0 $0x108  }
0x21: {  	s3 =	sadd.s32 s3, s9;
	s6 =	sadd.s32 @!p0 $0x88, s6;
	s7 =	simm.s32 @p2 $0x1082  }
0x22: {  	[simem:s7], [sflag:s8] =	dma.local @!p0 [hbm:s6], $0xF7A  }
0x23: {  	s9 =	sor.u32 $0xD0000000, s2;
	s6 =	simm.s32 $0x108;
	_ =	swait.ge @!p0 [sflag:s8], $0x0  }
0x24: {  	s3 =	sadd.s32 $0x88, s3;
	s6 =	simm.s32 @!p1 $0x1082;
	[sflag:s4] =	ssyncset.s32 $0xFFFFF086  }
0x25: {  	[simem:s6], [sflag:s4] =	dma.local [hbm:s3], $0xF7A  }
0x26: {  	[smem:$0x3F9F] =	sst s1;
	(tag) =	ssettag s2;
	_ =	strace s9  }
0x27: {  	s1 =	sld [smem:$0x3FAF]  }
0x28: {  	s2 =	sld [smem:$0x3FB0]  }
0x29: {  	s4 =	sld [smem:$0x3FB2]  }
0x2a: {  	p0 =	seq.s32 s5, $0x0;
	s5 =	sld [smem:$0x3FB3]  }
0x2b: {  	s6 =	sld [smem:$0x3FB4]  }
0x2c: {  	s7 =	sld [smem:$0x3FB5]  }
0x2d: {  	s3 =	simm.s32 $0x108;
	s8 =	sld [smem:$0x3FB6]  }
0x2e: {  	s3 =	simm.s32 @!p0 $0x1082;
	s9 =	sld [smem:$0x3FB7]  }
0x2f: {  	lr =	sadd.s32 s0, s3;
	s0 =	sld [smem:$0x3FAE]  }
0x30: {  	s3 =	sld [smem:$0x3FB1]  }
0x31: {  	[smem:$0x3FBA] =	sst s10  }
0x32: {  	s10 =	sld [smem:$0x3FB8];
	_ =	sdelay $0x3  }
0x33: {  	p0 =	seq.s32 s10, $0x1;
	s10 =	sld [smem:$0x3FBA];
	_ =	sdelay $0x3  }
0x34: {  	[smem:$0x3FBA] =	sst s10  }
0x35: {  	s10 =	sld [smem:$0x3FB9];
	_ =	sdelay $0x3  }
0x36: {  	p1 =	seq.s32 s10, $0x1;
	s10 =	sld [smem:$0x3FBA];
	_ =	sdelay $0x3  }
0x37: {  	[smem:$0x3FBA] =	sst s10  }
0x38: {  	s10 =	sld [smem:$0x3FBB]  }
0x39: {  	_ = 	snop;
	(pc) =	sbr.ind lr, $3  }
0x3a: {  	_ = 	snop  }
0x3b: {  	_ = 	snop  }
0x3c: {  	p2 =	seq.s32 s10, $0x1;
	s10 =	sld [smem:$0x3FBA]  }
0x3d: {  	_ =	shalt  }
0x3e: {  	_ =	shalt  }
0x3f: {  	_ =	shalt  }
0x40: {  	_ =	shalt  }
0x41: {  	_ =	shalt  }
0x42: {  	_ =	shalt  }
0x43: {  	_ =	shalt  }
0x44: {  	_ =	shalt  }
0x45: {  	_ =	shalt  }
0x46: {  	_ =	shalt  }
0x47: {  	_ =	shalt  }
0x48: {  	_ =	shalt  }
0x49: {  	_ =	shalt  }
0x4a: {  	_ =	shalt  }
0x4b: {  	_ =	shalt  }
0x4c: {  	_ =	shalt  }
0x4d: {  	_ =	shalt  }
0x4e: {  	_ =	shalt  }
0x4f: {  	_ =	shalt  }
0x50: {  	_ =	shalt  }
0x51: {  	_ =	shalt  }
0x52: {  	_ =	shalt  }
0x53: {  	_ =	shalt  }
0x54: {  	_ =	shalt  }
0x55: {  	_ =	shalt  }
0x56: {  	_ =	shalt  }
0x57: {  	_ =	shalt  }
0x58: {  	_ =	shalt  }
0x59: {  	_ =	shalt  }
0x5a: {  	_ =	shalt  }
0x5b: {  	_ =	shalt  }
0x5c: {  	_ =	shalt  }
0x5d: {  	_ =	shalt  }
0x5e: {  	_ =	shalt  }
0x5f: {  	_ =	shalt  }
0x60: {  	_ =	shalt  }
0x61: {  	_ =	shalt  }
0x62: {  	_ =	shalt  }
0x63: {  	_ =	shalt  }
0x64: {  	_ =	shalt  }
0x65: {  	_ =	shalt  }
0x66: {  	_ =	shalt  }
0x67: {  	_ =	shalt  }
0x68: {  	_ =	shalt  }
0x69: {  	_ =	shalt  }
0x6a: {  	_ =	shalt  }
0x6b: {  	_ =	shalt  }
0x6c: {  	_ =	shalt  }
0x6d: {  	_ =	shalt  }
0x6e: {  	_ =	shalt  }
0x6f: {  	_ =	shalt  }
0x70: {  	_ =	shalt  }
0x71: {  	_ =	shalt  }
0x72: {  	_ =	shalt  }
0x73: {  	_ =	shalt  }
0x74: {  	_ =	shalt  }
0x75: {  	_ =	shalt  }
0x76: {  	_ =	shalt  }
0x77: {  	_ =	shalt  }
0x78: {  	_ =	shalt  }
0x79: {  	_ =	shalt  }
0x7a: {  	_ =	shalt  }
0x7b: {  	_ =	shalt  }
0x7c: {  	_ =	shalt  }
0x7d: {  	_ =	shalt  }
0x7e: {  	_ =	shalt  }
0x7f: {  	_ =	shalt  }
0x80: {  	_ =	shalt  }
0x81: {  	_ =	shalt  }
0x82: {  	_ =	shalt  }
0x83: {  	_ =	shalt  }
0x84: {  	_ =	shalt  }
0x85: {  	_ =	shalt  }
0x86: {  	_ =	shalt  }
0x87: {  	_ =	shalt  }
.Lfunc_end0:
.L_simem_size_0:
called_computation_lowered:
.L_overlay_start_0:
0x88: {  	s2 =	sld [smem:$0x3FD9]  }
0x89: {  	s3 =	sld [smem:$0x3FFE];
	_ =	sdelay $0x1  }
0x8a: {  	s1 =	srdreg.scid  }
0x8b: {  	s0 =	sand.u32 $0x1, s1  }
0x8c: {  	s17 =	sshll.u32 s0, $0xA;
	s2 =	sadd.s32 s3, s2  }
0x8d: {  	s2 =	sadd.s32 s2, s17  }
0x8e: {  	[smem:$0x3FC6] =	sst s2  }
0x8f: {  	_ = 	snop  }
0x90: {  	s2 =	sld [smem:$0x3FC8]  }
0x91: {  	s18 =	sld [smem:$0x3FD0];
	(tm) =	ssettm $0x1  }
0x92: {  	s4 =	sld [smem:$0x3FFB];
	_ =	sdelay $0x3  }
0x93: {  	_ =	strace s4  }
0x94: {  	s4 =	sld [smem:$0x3FFC];
	_ =	sdelay $0x3  }
0x95: {  	_ =	strace s4  }
0x96: {  	s4 =	sld [smem:$0x3FFD];
	_ =	sdelay $0x3  }
0x97: {  	_ =	strace s4  }
0x98: {  	_ =	strace $0x8FFFFFFF  }
0x99: {  	s19 =	sld [smem:$0x3FDB];
	_ =	sdelay $0x1  }
0x9a: {  	s5 =	simm.s32 $_scs_section_size  }
0x9b: {  	s6 =	simm.s32 $_size__tile_overlayer_lowered;
	s7 =	simm.s32 $_tile_overlayer_lowered  }
0x9c: {  	s22 =	simm.s32 $0x1BFF;
	s21 =	sshll.u32 s7, $0x1;
	s4 =	sadd.s32 s5, s19  }
0x9d: {  	s8 =	simm.s32 $0x0;
	s20 =	sshll.u32 s6, $0x1;
	s6 =	sadd.s32 s21, s4  }
0x9e: {  	[timem:s8], [sflag:s22] =	dma.local [hbm:s6], s20  }
0x9f: {  	_ =	swait.ge [sflag:s22], s20  }
0xa0: {  	s5 =	ssub.s32 $0x0, s20;
	[sflag:s22] =	ssyncset.done $0x0  }
0xa1: {  	[sflag:s22] =	ssyncadd.s32 s5;
	_ =	sdelay $0x1  }
0xa2: {  	s23 =	simm.s32 $0x1B8B  }
0xa3: {  	_ =	swait.ge [sflag:s23], $0x1  }
0xa4: {  	[sflag:s23] =	ssyncset.done $0x0  }
0xa5: {  	s25 =	simm.s32 $0x1B8E;
	s24 =	sld [smem:$0x3FFE];
	[sflag:s23] =	ssyncadd.s32 $0xFFFFFFFF  }
0xa6: {  	s26 =	simm.s32 $execute0_lowered;
	[smem:$0x3FD2] =	sst s25  }
0xa7: {  	s6 =	sshll.u32 s26, $0x1;
	_ =	strace $0x80000046;
	[dreg:$0x1] =	wrdreg $0xFFFFFFFF  }
0xa8: {  	s28 =	simm.s32 $_size_execute0_lowered;
	s4 =	sadd.s32 s4, s6;
	[dreg:$0x0] =	wrdreg $0x0  }
0xa9: {  	s6 =	sshll.u32 s28, $0x1;
	[dreg:$0x2] =	wrdreg s4  }
0xaa: {  	[dreg:$0x3] =	wrdreg s6  }
0xab: {  	[dreg:$0x4] =	wrdreg $0xC0  }
0xac: {  	_ =	task [dreg:s8], $0x5FFFF  }
0xad: {  	[dreg:$0x1] =	wrdreg $0xFFFFFFFF  }
0xae: {  	[dreg:$0x0] =	wrdreg $0x60  }
0xaf: {  	[dreg:$0x2] =	wrdreg s24  }
0xb0: {  	[dreg:$0x3] =	wrdreg s2  }
0xb1: {  	[dreg:$0x4] =	wrdreg s18  }
0xb2: {  	[dreg:$0x5] =	wrdreg $0x9  }
0xb3: {  	_ =	task.clear_ibuf [dreg:s8], $0x6FFFF;
	_ =	strace $0x90000046  }
0xb4: {  	s29 =	simm.s32 $0x9;
	_ =	strace $0x80000048  }
0xb5: {  	_ =	swait.ge [sflag:s29], $0x1  }
0xb6: {  	[sflag:s29] =	ssyncadd.s32 $0xFFFFFFFF  }
0xb7: {  	_ =	strace $0x90000048  }
0xb8: {  	_ =	sfence  }
0xb9: {  	s30 =	sld [smem:$0x0];
	_ =	sdelay $0x2  }
0xba: {  	s31 =	sshll.u32 s1, $0xD;
	s1 =	sshrl.u32 s1, $0x2  }
0xbb: {  	s3 =	sand.u32 $0x4000, s31;
	s1 =	sadd.s32 s1, s30  }
0xbc: {  	s0 =	sor.u32 s3, s0;
	s1 =	sshll.u32 s1, $0x11  }
0xbd: {  	s0 =	sor.u32 s1, s0  }
0xbe: {  	s0 =	sadd.s32 $0x8F2B, s0  }
0xbf: {  	[sflag:s0] =	ssyncadd.remote.s32 $0x1  }
0xc0: {  	_ =	sfence.sel $0xFFFF  }
0xc1: {  	[dreg:$0x0] =	wrdreg $0xFFFFFFFF;
	(pc) =	sbr.abs _section_cstart, $3  }
0xc2: {  	[dreg:$0x1] =	wrdreg $0xFFFFFFFF  }
0xc3: {  	_ =	task.clear_ibuf [dreg:s8], $0x2FFFF;
	_ =	strace $0x9FFFFFFF  }
0xc4: {  	(tm) =	ssettm $0x7FFFFFFF  }
0xc5: {  	_ =	shalt  }
tec
execute0_lowered:
.L_overlay_start_1:
0x0: {  	(tag) =	ssettag $0x1  }
0x1: {  	s0 =	rddreg [dreg:$0x0]  }
0x2: {  	s2 =	rddreg [dreg:$0x1];
	s1 =	srdreg.scid  }
0x3: {  	s4 =	rddreg [dreg:$0x2];
	s9 =	stileid.u32  }
0x4: {  	s3 =	simm.s32 $0x0;
	s15 =	simm.s32 $0x400;
	s17 =	simm.s32 $0x10C00  }
0x5: {  	s30 =	simm.s32 $0x11400;
	s29 =	simm.s32 $0x11C00;
	s18 =	simm.s32 $0x12400  }
0x6: {  	s19 =	simm.s32 $0x12C00;
	s11 =	simm.s32 $0x16400;
	s12 =	simm.s32 $0x17400  }
0x7: {  	s13 =	simm.s32 $0x2;
	s28 =	simm.s32 $0x5;
	s14 =	simm.s32 $0x6  }
0x8: {  	s31 =	simm.s32 $0x0;
	s1 =	sand.u32 $0x1, s1;
	s5 =	sshll.u32 s9, $0xB  }
0x9: {  	[smem:$0x7FF] =	sst s3;
	s23 =	sshll.u32 s9, $0x12;
	s9 =	simm.s32 $0x15400  }
0xa: {  	s6 =	sshll.u32 s1, $0xA;
	s20 =	ssub.s32 $0x2, s1;
	_ =	strace $0x80000047  }
0xb: {  	s1 =	sshll.u32 s1, $0x11;
	s6 =	sor.u32 s6, s5;
	s8 =	sshrl.u32 s20, $0x1  }
0xc: {  	s5 =	sadd.s32 $0x100, s2;
	s7 =	sshrl.u32 s6, $0x3;
	s21 =	sshll.u32 s6, $0x7  }
0xd: {  	s8 =	ssub.s32 s20, s8;
	s6 =	sadd.s32 $0x200, s2;
	s10 =	sadd.s32 s4, s21  }
0xe: {  	s0 =	sadd.s32 s7, s0;
	s26 =	smax.u32 s8, $0x1;
	[dreg:$0x6] =	wrdreg s10  }
0xf: {  	s20 =	simm.s32 $0x13C00;
	s0 =	sadd.s32 $0x400, s0;
	[dreg:$0xb] =	wrdreg s26  }
0x10: {  	s7 =	sadd.s32 $0x300, s2;
	s22 =	sadd.s32 $0x1D000, s10;
	[dreg:$0x5] =	wrdreg s0  }
0x11: {  	s21 =	simm.s32 $0x14C00;
	s24 =	sadd.s32 $0x1E000, s10;
	[dreg:$0x8] =	wrdreg s22  }
0x12: {  	s8 =	simm.s32 $0x3;
	s25 =	sadd.s32 $0x1F000, s10;
	[dreg:$0x9] =	wrdreg s24  }
0x13: {  	s26 =	simm.s32 $0x4;
	s0 =	sadd.s32 $0x1C000, s10;
	[dreg:$0xa] =	wrdreg s25  }
0x14: {  	s22 =	simm.s32 $0x1;
	s10 =	simm.s32 $0x15C00;
	s24 =	simm.s32 $0x16C00  }
0x15: {  	v2 =	vlaneseq.u32;
	s25 =	simm.s32 $0x17C00;
	[dreg:$0x7] =	wrdreg s0;
	s0 =	sadd.s32 s23, s4  }
0x16: {  	vm0 =	vmmov $0xffff;
	v1 =	vshrl.u32 v2, $0x3;
	s23 =	simm.s32 $0x10400;
	s4 =	simm.s32 $0x14400;
	s0 =	sadd.s32 s1, s0  }
0x17: {  	v0 =	vand.u32 $0x7, v2;
	v2 =	vor.u32 $0x8, v2;
	v1 =	vmul.u32 $0x8, v1;
	s1 =	simm.s32 $0x13400;
	[dreg:$0x4] =	wrdreg s0;
	s0 =	simm.s32 $0x8400  }
.LBB2_1:
0x18: {  	s16 =	rddreg [dreg:$0x5]  }
0x19: {  	[tilespmem:s3], [sflag:$0x7] =	stream.linear.gather [hbm4b:s16+s3], $0x400, $0x38;
	[tilespmem:$0x18400] =	vst v63  }
0x1a: {  	[dreg:$0xc] =	wrdreg s31;
	s16 =	simm.s32 $0x7  }
0x1b: {  	_ =	swait.ge [sflag:s16], $0x400  }
0x1c: {  	[sflag:s16] =	ssyncset.done $0x0  }
0x1d: {  	[sflag:s16] =	ssyncadd.s32 $0xFFFFFC00  }
0x1e: {  	v3 =	vld [tilespmem:$0x0];
	_ =	sdelay $0x4  }
0x1f: {  	v4 =	vshll.u32 v3, $0x3  }
0x20: {  	v3 =	vand.u32 $0x7, v3;
	v4 =	vand.u32 $0xFFFFFFC0, v4  }
0x21: {  	v3 =	vor.u32 v3, v4  }
0x22: {  	v4 =	vperm.xlane v3, v0;
	_ =	sdelay $0x1  }
0x23: {  	v4 =	vadd.s32 v1, v4;
	_ =	sdelay $0x4  }
0x24: {  	[tilespmem:s15], [sflag:$0x1] =	stream.indirect_vreg.gather [hbm4b:s2+s3], $0x80, v4, vm0, $0xb8;
	[tilespmem:$0x18400] =	vst v63  }
0x25: {  	s16 =	simm.s32 $0xC00;
	v3 =	vperm.xlane v3, v2  }
0x26: {  	[tilespmem:s16], [sflag:$0x1] =	stream.indirect_vreg.gather [hbm4b:s5+s3], $0x80, v4, vm0, $0xb8;
	[tilespmem:$0x18400] =	vst v63  }
0x27: {  	v3 =	vadd.s32 v1, v3;
	s16 =	simm.s32 $0x1400  }
0x28: {  	[tilespmem:s16], [sflag:$0x1] =	stream.indirect_vreg.gather [hbm4b:s6+s3], $0x80, v4, vm0, $0xb8;
	[tilespmem:$0x18400] =	vst v63  }
0x29: {  	s16 =	simm.s32 $0x1C00  }
0x2a: {  	[tilespmem:s16], [sflag:$0x1] =	stream.indirect_vreg.gather [hbm4b:s7+s3], $0x80, v4, vm0, $0xb8;
	[tilespmem:$0x18400] =	vst v63  }
0x2b: {  	s16 =	simm.s32 $0x2400  }
0x2c: {  	[tilespmem:s16], [sflag:$0x1] =	stream.indirect_vreg.gather [hbm4b:s2+s3], $0x80, v3, vm0, $0xb8;
	[tilespmem:$0x18400] =	vst v63  }
0x2d: {  	s16 =	simm.s32 $0x2C00  }
0x2e: {  	[tilespmem:s16], [sflag:$0x1] =	stream.indirect_vreg.gather [hbm4b:s5+s3], $0x80, v3, vm0, $0xb8;
	[tilespmem:$0x18400] =	vst v63  }
0x2f: {  	s16 =	simm.s32 $0x3400  }
0x30: {  	[tilespmem:s16], [sflag:$0x1] =	stream.indirect_vreg.gather [hbm4b:s6+s3], $0x80, v3, vm0, $0xb8;
	[tilespmem:$0x18400] =	vst v63  }
0x31: {  	s16 =	simm.s32 $0x3C00  }
0x32: {  	[tilespmem:s16], [sflag:$0x1] =	stream.indirect_vreg.gather [hbm4b:s7+s3], $0x80, v3, vm0, $0xb8;
	[tilespmem:$0x18400] =	vst v63  }
0x33: {  	v3 =	vld [tilespmem:$0x10];
	_ =	sdelay $0x4  }
0x34: {  	v59 =	vshll.u32 v3, $0x3  }
0x35: {  	v3 =	vand.u32 $0x7, v3;
	v4 =	vand.u32 $0xFFFFFFC0, v59  }
0x36: {  	v3 =	vor.u32 v3, v4  }
0x37: {  	v4 =	vperm.xlane v3, v0;
	_ =	sdelay $0x1  }
0x38: {  	v4 =	vadd.s32 v1, v4;
	_ =	sdelay $0x3  }
0x39: {  	s16 =	simm.s32 $0x4400  }
0x3a: {  	[tilespmem:s16], [sflag:$0x1] =	stream.indirect_vreg.gather [hbm4b:s2+s3], $0x80, v4, vm0, $0xb8;
	[tilespmem:$0x18400] =	vst v63  }
0x3b: {  	v3 =	vperm.xlane v3, v2;
	s16 =	simm.s32 $0x4C00  }
0x3c: {  	[tilespmem:s16], [sflag:$0x1] =	stream.indirect_vreg.gather [hbm4b:s5+s3], $0x80, v4, vm0, $0xb8;
	[tilespmem:$0x18400] =	vst v63  }
0x3d: {  	v3 =	vadd.s32 v1, v3;
	s16 =	simm.s32 $0x5400  }
0x3e: {  	[tilespmem:s16], [sflag:$0x1] =	stream.indirect_vreg.gather [hbm4b:s6+s3], $0x80, v4, vm0, $0xb8;
	[tilespmem:$0x18400] =	vst v63  }
0x3f: {  	s16 =	simm.s32 $0x5C00  }
0x40: {  	[tilespmem:s16], [sflag:$0x1] =	stream.indirect_vreg.gather [hbm4b:s7+s3], $0x80, v4, vm0, $0xb8;
	[tilespmem:$0x18400] =	vst v63  }
0x41: {  	s16 =	simm.s32 $0x6400  }
0x42: {  	[tilespmem:s16], [sflag:$0x1] =	stream.indirect_vreg.gather [hbm4b:s2+s3], $0x80, v3, vm0, $0xb8;
	[tilespmem:$0x18400] =	vst v63  }
0x43: {  	s16 =	simm.s32 $0x6C00  }
0x44: {  	[tilespmem:s16], [sflag:$0x1] =	stream.indirect_vreg.gather [hbm4b:s5+s3], $0x80, v3, vm0, $0xb8;
	[tilespmem:$0x18400] =	vst v63  }
0x45: {  	s16 =	simm.s32 $0x7400  }
0x46: {  	[tilespmem:s16], [sflag:$0x1] =	stream.indirect_vreg.gather [hbm4b:s6+s3], $0x80, v3, vm0, $0xb8;
	[tilespmem:$0x18400] =	vst v63  }
0x47: {  	s16 =	simm.s32 $0x7C00  }
0x48: {  	[tilespmem:s16], [sflag:$0x1] =	stream.indirect_vreg.gather [hbm4b:s7+s3], $0x80, v3, vm0, $0xb8;
	[tilespmem:$0x18400] =	vst v63  }
0x49: {  	v3 =	vld [tilespmem:$0x20];
	_ =	sdelay $0x4  }
0x4a: {  	v60 =	vshll.u32 v3, $0x3  }
0x4b: {  	v3 =	vand.u32 $0x7, v3;
	v4 =	vand.u32 $0xFFFFFFC0, v60  }
0x4c: {  	v3 =	vor.u32 v3, v4  }
0x4d: {  	v4 =	vperm.xlane v3, v0;
	_ =	sdelay $0x1  }
0x4e: {  	v4 =	vadd.s32 v1, v4;
	_ =	sdelay $0x4  }
0x4f: {  	[tilespmem:s0], [sflag:$0x2] =	stream.indirect_vreg.gather [hbm4b:s2+s3], $0x80, v4, vm0, $0xb8;
	[tilespmem:$0x18400] =	vst v63  }
0x50: {  	s16 =	simm.s32 $0x8C00;
	v3 =	vperm.xlane v3, v2  }
0x51: {  	[tilespmem:s16], [sflag:$0x2] =	stream.indirect_vreg.gather [hbm4b:s5+s3], $0x80, v4, vm0, $0xb8;
	[tilespmem:$0x18400] =	vst v63  }
0x52: {  	v3 =	vadd.s32 v1, v3;
	s16 =	simm.s32 $0x9400  }
0x53: {  	[tilespmem:s16], [sflag:$0x2] =	stream.indirect_vreg.gather [hbm4b:s6+s3], $0x80, v4, vm0, $0xb8;
	[tilespmem:$0x18400] =	vst v63  }
0x54: {  	s16 =	simm.s32 $0x9C00  }
0x55: {  	[tilespmem:s16], [sflag:$0x2] =	stream.indirect_vreg.gather [hbm4b:s7+s3], $0x80, v4, vm0, $0xb8;
	[tilespmem:$0x18400] =	vst v63  }
0x56: {  	s16 =	simm.s32 $0xA400  }
0x57: {  	[tilespmem:s16], [sflag:$0x2] =	stream.indirect_vreg.gather [hbm4b:s2+s3], $0x80, v3, vm0, $0xb8;
	[tilespmem:$0x18400] =	vst v63  }
0x58: {  	s16 =	simm.s32 $0xAC00  }
0x59: {  	[tilespmem:s16], [sflag:$0x2] =	stream.indirect_vreg.gather [hbm4b:s5+s3], $0x80, v3, vm0, $0xb8;
	[tilespmem:$0x18400] =	vst v63  }
0x5a: {  	s16 =	simm.s32 $0xB400  }
0x5b: {  	[tilespmem:s16], [sflag:$0x2] =	stream.indirect_vreg.gather [hbm4b:s6+s3], $0x80, v3, vm0, $0xb8;
	[tilespmem:$0x18400] =	vst v63  }
0x5c: {  	s16 =	simm.s32 $0xBC00  }
0x5d: {  	[tilespmem:s16], [sflag:$0x2] =	stream.indirect_vreg.gather [hbm4b:s7+s3], $0x80, v3, vm0, $0xb8;
	[tilespmem:$0x18400] =	vst v63  }
0x5e: {  	v3 =	vld [tilespmem:$0x30];
	_ =	sdelay $0x4  }
0x5f: {  	v61 =	vshll.u32 v3, $0x3  }
0x60: {  	v3 =	vand.u32 $0x7, v3;
	v4 =	vand.u32 $0xFFFFFFC0, v61  }
0x61: {  	v3 =	vor.u32 v3, v4  }
0x62: {  	v4 =	vperm.xlane v3, v0;
	_ =	sdelay $0x1  }
0x63: {  	v4 =	vadd.s32 v1, v4;
	_ =	sdelay $0x3  }
0x64: {  	s16 =	simm.s32 $0xC400  }
0x65: {  	[tilespmem:s16], [sflag:$0x2] =	stream.indirect_vreg.gather [hbm4b:s2+s3], $0x80, v4, vm0, $0xb8;
	[tilespmem:$0x18400] =	vst v63  }
0x66: {  	v3 =	vperm.xlane v3, v2;
	s16 =	simm.s32 $0xCC00  }
0x67: {  	[tilespmem:s16], [sflag:$0x2] =	stream.indirect_vreg.gather [hbm4b:s5+s3], $0x80, v4, vm0, $0xb8;
	[tilespmem:$0x18400] =	vst v63  }
0x68: {  	v3 =	vadd.s32 v1, v3;
	s16 =	simm.s32 $0xD400  }
0x69: {  	[tilespmem:s16], [sflag:$0x2] =	stream.indirect_vreg.gather [hbm4b:s6+s3], $0x80, v4, vm0, $0xb8;
	[tilespmem:$0x18400] =	vst v63  }
0x6a: {  	s16 =	simm.s32 $0xDC00  }
0x6b: {  	[tilespmem:s16], [sflag:$0x2] =	stream.indirect_vreg.gather [hbm4b:s7+s3], $0x80, v4, vm0, $0xb8;
	[tilespmem:$0x18400] =	vst v63  }
0x6c: {  	s16 =	simm.s32 $0xE400  }
0x6d: {  	[tilespmem:s16], [sflag:$0x2] =	stream.indirect_vreg.gather [hbm4b:s2+s3], $0x80, v3, vm0, $0xb8;
	[tilespmem:$0x18400] =	vst v63  }
0x6e: {  	s16 =	simm.s32 $0xEC00  }
0x6f: {  	[tilespmem:s16], [sflag:$0x2] =	stream.indirect_vreg.gather [hbm4b:s5+s3], $0x80, v3, vm0, $0xb8;
	[tilespmem:$0x18400] =	vst v63  }
0x70: {  	s16 =	simm.s32 $0xF400  }
0x71: {  	[tilespmem:s16], [sflag:$0x2] =	stream.indirect_vreg.gather [hbm4b:s6+s3], $0x80, v3, vm0, $0xb8;
	[tilespmem:$0x18400] =	vst v63  }
0x72: {  	s16 =	simm.s32 $0xFC00  }
0x73: {  	[tilespmem:s16], [sflag:$0x2] =	stream.indirect_vreg.gather [hbm4b:s7+s3], $0x80, v3, vm0, $0xb8;
	[tilespmem:$0x18400] =	vst v63  }
0x74: {  	_ =	swait.ge [sflag:s22], $0x8000  }
0x75: {  	[sflag:s22] =	ssyncset.done $0x0  }
0x76: {  	s16 =	rddreg [dreg:$0x6];
	[sflag:s22] =	ssyncadd.s32 $0xFFFF8000  }
0x77: {  	[hbm4b:s16+s3] =	stream.linear.scatter [tilespmem:s15], [sflag:$0x4], $0x8000, $0x38;
	[tilespmem:$0x18400] =	vst v63  }
0x78: {  	v3 =	vld [tilespmem:$0x40];
	_ =	sdelay $0x4  }
0x79: {  	v62 =	vshll.u32 v3, $0x3  }
0x7a: {  	v3 =	vand.u32 $0x7, v3;
	v4 =	vand.u32 $0xFFFFFFC0, v62  }
0x7b: {  	v3 =	vor.u32 v3, v4  }
0x7c: {  	v4 =	vperm.xlane v3, v0;
	_ =	sdelay $0x1  }
0x7d: {  	v4 =	vadd.s32 v1, v4;
	_ =	sdelay $0x4  }
0x7e: {  	[tilespmem:s23], [sflag:$0x3] =	stream.indirect_vreg.gather [hbm4b:s2+s3], $0x80, v4, vm0, $0xb8;
	[tilespmem:$0x18400] =	vst v63  }
0x7f: {  	v3 =	vperm.xlane v3, v2  }
0x80: {  	[tilespmem:s17], [sflag:$0x3] =	stream.indirect_vreg.gather [hbm4b:s5+s3], $0x80, v4, vm0, $0xb8;
	[tilespmem:$0x18400] =	vst v63  }
0x81: {  	v3 =	vadd.s32 v1, v3  }
0x82: {  	[tilespmem:s30], [sflag:$0x3] =	stream.indirect_vreg.gather [hbm4b:s6+s3], $0x80, v4, vm0, $0xb8;
	[tilespmem:$0x18400] =	vst v63  }
0x83: {  	_ = 	snop  }
0x84: {  	[tilespmem:s29], [sflag:$0x3] =	stream.indirect_vreg.gather [hbm4b:s7+s3], $0x80, v4, vm0, $0xb8;
	[tilespmem:$0x18400] =	vst v63  }
0x85: {  	_ = 	snop  }
0x86: {  	[tilespmem:s18], [sflag:$0x3] =	stream.indirect_vreg.gather [hbm4b:s2+s3], $0x80, v3, vm0, $0xb8;
	[tilespmem:$0x18400] =	vst v63  }
0x87: {  	_ = 	snop  }
0x88: {  	[tilespmem:s19], [sflag:$0x3] =	stream.indirect_vreg.gather [hbm4b:s5+s3], $0x80, v3, vm0, $0xb8;
	[tilespmem:$0x18400] =	vst v63  }
0x89: {  	_ = 	snop  }
0x8a: {  	[tilespmem:s1], [sflag:$0x3] =	stream.indirect_vreg.gather [hbm4b:s6+s3], $0x80, v3, vm0, $0xb8;
	[tilespmem:$0x18400] =	vst v63  }
0x8b: {  	_ = 	snop  }
0x8c: {  	[tilespmem:s20], [sflag:$0x3] =	stream.indirect_vreg.gather [hbm4b:s7+s3], $0x80, v3, vm0, $0xb8;
	[tilespmem:$0x18400] =	vst v63  }
0x8d: {  	v3 =	vld [tilespmem:$0x50];
	_ =	sdelay $0x4  }
0x8e: {  	v63 =	vshll.u32 v3, $0x3  }
0x8f: {  	v3 =	vand.u32 $0x7, v3;
	v4 =	vand.u32 $0xFFFFFFC0, v63  }
0x90: {  	v3 =	vor.u32 v3, v4  }
0x91: {  	v4 =	vperm.xlane v3, v0;
	_ =	sdelay $0x1  }
0x92: {  	v4 =	vadd.s32 v1, v4;
	_ =	sdelay $0x4  }
0x93: {  	[tilespmem:s4], [sflag:$0x3] =	stream.indirect_vreg.gather [hbm4b:s2+s3], $0x80, v4, vm0, $0xb8;
	[tilespmem:$0x18400] =	vst v63  }
0x94: {  	v3 =	vperm.xlane v3, v2  }
0x95: {  	[tilespmem:s21], [sflag:$0x3] =	stream.indirect_vreg.gather [hbm4b:s5+s3], $0x80, v4, vm0, $0xb8;
	[tilespmem:$0x18400] =	vst v63  }
0x96: {  	v3 =	vadd.s32 v1, v3  }
0x97: {  	[tilespmem:s9], [sflag:$0x3] =	stream.indirect_vreg.gather [hbm4b:s6+s3], $0x80, v4, vm0, $0xb8;
	[tilespmem:$0x18400] =	vst v63  }
0x98: {  	_ = 	snop  }
0x99: {  	[tilespmem:s10], [sflag:$0x3] =	stream.indirect_vreg.gather [hbm4b:s7+s3], $0x80, v4, vm0, $0xb8;
	[tilespmem:$0x18400] =	vst v63  }
0x9a: {  	_ = 	snop  }
0x9b: {  	[tilespmem:s11], [sflag:$0x3] =	stream.indirect_vreg.gather [hbm4b:s2+s3], $0x80, v3, vm0, $0xb8;
	[tilespmem:$0x18400] =	vst v63  }
0x9c: {  	s31 =	simm.s32 $0x11C00;
	s16 =	simm.s32 $0x0;
	s29 =	simm.s32 $0xB0  }
0x9d: {  	[tilespmem:s24], [sflag:$0x3] =	stream.indirect_vreg.gather [hbm4b:s5+s3], $0x80, v3, vm0, $0xb8;
	[tilespmem:$0x18400] =	vst v63  }
0x9e: {  	s18 =	simm.s32 $0x12400;
	s19 =	simm.s32 $0x12C00;
	s1 =	simm.s32 $0x13400  }
0x9f: {  	[tilespmem:s12], [sflag:$0x3] =	stream.indirect_vreg.gather [hbm4b:s6+s3], $0x80, v3, vm0, $0xb8;
	[tilespmem:$0x18400] =	vst v63  }
0xa0: {  	s20 =	simm.s32 $0x13C00;
	s4 =	simm.s32 $0x14400;
	s21 =	simm.s32 $0x14C00  }
0xa1: {  	[tilespmem:s25], [sflag:$0x3] =	stream.indirect_vreg.gather [hbm4b:s7+s3], $0x80, v3, vm0, $0xb8;
	[tilespmem:$0x18400] =	vst v63  }
.LBB2_2:
0xa2: {  	_ =	swait.ge [sflag:s13], $0x8000  }
0xa3: {  	s30 =	rddreg [dreg:$0x4]  }
0xa4: {  	[sflag:s13] =	ssyncset.done $0x0;
	s30 =	sadd.s32 s16, s30  }
0xa5: {  	[sflag:s13] =	ssyncadd.s32 $0xFFFF8000;
	s17 =	sadd.s32 $0x1000, s30  }
0xa6: {  	[hbm4b:s17+s3] =	stream.linear.scatter [tilespmem:s0], [sflag:$0x5], $0x8000, $0x38;
	[tilespmem:$0x18400] =	vst v63  }
0xa7: {  	_ =	swait.ge [sflag:s26], $0x8000  }
0xa8: {  	[sflag:s26] =	ssyncset.done $0x0  }
0xa9: {  	[sflag:s26] =	ssyncadd.s32 $0xFFFF8000  }
0xaa: {  	v3 =	vld [tilespmem:s29+$0xFFFFFFB0];
	_ =	sdelay $0x4  }
0xab: {  	v4 =	vshll.u32 v3, $0x3  }
0xac: {  	v3 =	vand.u32 $0x7, v3;
	v4 =	vand.u32 $0xFFFFFFC0, v4  }
0xad: {  	v3 =	vor.u32 v3, v4  }
0xae: {  	v4 =	vperm.xlane v3, v0;
	_ =	sdelay $0x1  }
0xaf: {  	v4 =	vadd.s32 v1, v4;
	_ =	sdelay $0x4  }
0xb0: {  	[tilespmem:s15], [sflag:$0x1] =	stream.indirect_vreg.gather [hbm4b:s2+s3], $0x80, v4, vm0, $0xb8;
	[tilespmem:$0x18400] =	vst v63  }
0xb1: {  	s17 =	simm.s32 $0xC00;
	v3 =	vperm.xlane v3, v2  }
0xb2: {  	[tilespmem:s17], [sflag:$0x1] =	stream.indirect_vreg.gather [hbm4b:s5+s3], $0x80, v4, vm0, $0xb8;
	[tilespmem:$0x18400] =	vst v63  }
0xb3: {  	v3 =	vadd.s32 v1, v3;
	s17 =	simm.s32 $0x1400  }
0xb4: {  	[tilespmem:s17], [sflag:$0x1] =	stream.indirect_vreg.gather [hbm4b:s6+s3], $0x80, v4, vm0, $0xb8;
	[tilespmem:$0x18400] =	vst v63  }
0xb5: {  	s17 =	simm.s32 $0x1C00  }
0xb6: {  	[tilespmem:s17], [sflag:$0x1] =	stream.indirect_vreg.gather [hbm4b:s7+s3], $0x80, v4, vm0, $0xb8;
	[tilespmem:$0x18400] =	vst v63  }
0xb7: {  	s17 =	simm.s32 $0x2400  }
0xb8: {  	[tilespmem:s17], [sflag:$0x1] =	stream.indirect_vreg.gather [hbm4b:s2+s3], $0x80, v3, vm0, $0xb8;
	[tilespmem:$0x18400] =	vst v63  }
0xb9: {  	s17 =	simm.s32 $0x2C00  }
0xba: {  	[tilespmem:s17], [sflag:$0x1] =	stream.indirect_vreg.gather [hbm4b:s5+s3], $0x80, v3, vm0, $0xb8;
	[tilespmem:$0x18400] =	vst v63  }
0xbb: {  	s17 =	simm.s32 $0x3400  }
0xbc: {  	[tilespmem:s17], [sflag:$0x1] =	stream.indirect_vreg.gather [hbm4b:s6+s3], $0x80, v3, vm0, $0xb8;
	[tilespmem:$0x18400] =	vst v63  }
0xbd: {  	s17 =	simm.s32 $0x3C00  }
0xbe: {  	[tilespmem:s17], [sflag:$0x1] =	stream.indirect_vreg.gather [hbm4b:s7+s3], $0x80, v3, vm0, $0xb8;
	[tilespmem:$0x18400] =	vst v63  }
0xbf: {  	v3 =	vld [tilespmem:s29+$0xFFFFFFC0];
	_ =	sdelay $0x4  }
0xc0: {  	v59 =	vshll.u32 v3, $0x3  }
0xc1: {  	v3 =	vand.u32 $0x7, v3;
	v4 =	vand.u32 $0xFFFFFFC0, v59  }
0xc2: {  	v3 =	vor.u32 v3, v4  }
0xc3: {  	v4 =	vperm.xlane v3, v0;
	_ =	sdelay $0x1  }
0xc4: {  	v4 =	vadd.s32 v1, v4;
	_ =	sdelay $0x3  }
0xc5: {  	s17 =	simm.s32 $0x4400  }
0xc6: {  	[tilespmem:s17], [sflag:$0x1] =	stream.indirect_vreg.gather [hbm4b:s2+s3], $0x80, v4, vm0, $0xb8;
	[tilespmem:$0x18400] =	vst v63  }
0xc7: {  	v3 =	vperm.xlane v3, v2;
	s17 =	simm.s32 $0x4C00  }
0xc8: {  	[tilespmem:s17], [sflag:$0x1] =	stream.indirect_vreg.gather [hbm4b:s5+s3], $0x80, v4, vm0, $0xb8;
	[tilespmem:$0x18400] =	vst v63  }
0xc9: {  	v3 =	vadd.s32 v1, v3;
	s17 =	simm.s32 $0x5400  }
0xca: {  	[tilespmem:s17], [sflag:$0x1] =	stream.indirect_vreg.gather [hbm4b:s6+s3], $0x80, v4, vm0, $0xb8;
	[tilespmem:$0x18400] =	vst v63  }
0xcb: {  	s17 =	simm.s32 $0x5C00  }
0xcc: {  	[tilespmem:s17], [sflag:$0x1] =	stream.indirect_vreg.gather [hbm4b:s7+s3], $0x80, v4, vm0, $0xb8;
	[tilespmem:$0x18400] =	vst v63  }
0xcd: {  	s17 =	simm.s32 $0x6400  }
0xce: {  	[tilespmem:s17], [sflag:$0x1] =	stream.indirect_vreg.gather [hbm4b:s2+s3], $0x80, v3, vm0, $0xb8;
	[tilespmem:$0x18400] =	vst v63  }
0xcf: {  	s17 =	simm.s32 $0x6C00  }
0xd0: {  	[tilespmem:s17], [sflag:$0x1] =	stream.indirect_vreg.gather [hbm4b:s5+s3], $0x80, v3, vm0, $0xb8;
	[tilespmem:$0x18400] =	vst v63  }
0xd1: {  	s17 =	simm.s32 $0x7400  }
0xd2: {  	[tilespmem:s17], [sflag:$0x1] =	stream.indirect_vreg.gather [hbm4b:s6+s3], $0x80, v3, vm0, $0xb8;
	[tilespmem:$0x18400] =	vst v63  }
0xd3: {  	s17 =	simm.s32 $0x7C00  }
0xd4: {  	[tilespmem:s17], [sflag:$0x1] =	stream.indirect_vreg.gather [hbm4b:s7+s3], $0x80, v3, vm0, $0xb8;
	[tilespmem:$0x18400] =	vst v63  }
0xd5: {  	_ =	swait.ge [sflag:s8], $0x8000  }
0xd6: {  	[sflag:s8] =	ssyncset.done $0x0  }
0xd7: {  	s17 =	sadd.s32 $0x2000, s30;
	[sflag:s8] =	ssyncadd.s32 $0xFFFF8000  }
0xd8: {  	[hbm4b:s17+s3] =	stream.linear.scatter [tilespmem:s23], [sflag:$0x6], $0x8000, $0x38;
	[tilespmem:$0x18400] =	vst v63  }
0xd9: {  	_ =	swait.ge [sflag:s28], $0x8000  }
0xda: {  	[sflag:s28] =	ssyncset.done $0x0  }
0xdb: {  	[sflag:s28] =	ssyncadd.s32 $0xFFFF8000  }
0xdc: {  	v3 =	vld [tilespmem:s29+$0xFFFFFFD0];
	_ =	sdelay $0x4  }
0xdd: {  	v60 =	vshll.u32 v3, $0x3  }
0xde: {  	v3 =	vand.u32 $0x7, v3;
	v4 =	vand.u32 $0xFFFFFFC0, v60  }
0xdf: {  	v3 =	vor.u32 v3, v4  }
0xe0: {  	v4 =	vperm.xlane v3, v0;
	_ =	sdelay $0x1  }
0xe1: {  	v4 =	vadd.s32 v1, v4;
	_ =	sdelay $0x4  }
0xe2: {  	[tilespmem:s0], [sflag:$0x2] =	stream.indirect_vreg.gather [hbm4b:s2+s3], $0x80, v4, vm0, $0xb8;
	[tilespmem:$0x18400] =	vst v63  }
0xe3: {  	s17 =	simm.s32 $0x8C00;
	v3 =	vperm.xlane v3, v2  }
0xe4: {  	[tilespmem:s17], [sflag:$0x2] =	stream.indirect_vreg.gather [hbm4b:s5+s3], $0x80, v4, vm0, $0xb8;
	[tilespmem:$0x18400] =	vst v63  }
0xe5: {  	v3 =	vadd.s32 v1, v3;
	s17 =	simm.s32 $0x9400  }
0xe6: {  	[tilespmem:s17], [sflag:$0x2] =	stream.indirect_vreg.gather [hbm4b:s6+s3], $0x80, v4, vm0, $0xb8;
	[tilespmem:$0x18400] =	vst v63  }
0xe7: {  	s17 =	simm.s32 $0x9C00  }
0xe8: {  	[tilespmem:s17], [sflag:$0x2] =	stream.indirect_vreg.gather [hbm4b:s7+s3], $0x80, v4, vm0, $0xb8;
	[tilespmem:$0x18400] =	vst v63  }
0xe9: {  	s17 =	simm.s32 $0xA400  }
0xea: {  	[tilespmem:s17], [sflag:$0x2] =	stream.indirect_vreg.gather [hbm4b:s2+s3], $0x80, v3, vm0, $0xb8;
	[tilespmem:$0x18400] =	vst v63  }
0xeb: {  	s17 =	simm.s32 $0xAC00  }
0xec: {  	[tilespmem:s17], [sflag:$0x2] =	stream.indirect_vreg.gather [hbm4b:s5+s3], $0x80, v3, vm0, $0xb8;
	[tilespmem:$0x18400] =	vst v63  }
0xed: {  	s17 =	simm.s32 $0xB400  }
0xee: {  	[tilespmem:s17], [sflag:$0x2] =	stream.indirect_vreg.gather [hbm4b:s6+s3], $0x80, v3, vm0, $0xb8;
	[tilespmem:$0x18400] =	vst v63  }
0xef: {  	s17 =	simm.s32 $0xBC00  }
0xf0: {  	[tilespmem:s17], [sflag:$0x2] =	stream.indirect_vreg.gather [hbm4b:s7+s3], $0x80, v3, vm0, $0xb8;
	[tilespmem:$0x18400] =	vst v63  }
0xf1: {  	v3 =	vld [tilespmem:s29+$0xFFFFFFE0];
	_ =	sdelay $0x4  }
0xf2: {  	v61 =	vshll.u32 v3, $0x3  }
0xf3: {  	v3 =	vand.u32 $0x7, v3;
	v4 =	vand.u32 $0xFFFFFFC0, v61  }
0xf4: {  	v3 =	vor.u32 v3, v4  }
0xf5: {  	v4 =	vperm.xlane v3, v0;
	_ =	sdelay $0x1  }
0xf6: {  	v4 =	vadd.s32 v1, v4;
	_ =	sdelay $0x3  }
0xf7: {  	s17 =	simm.s32 $0xC400  }
0xf8: {  	[tilespmem:s17], [sflag:$0x2] =	stream.indirect_vreg.gather [hbm4b:s2+s3], $0x80, v4, vm0, $0xb8;
	[tilespmem:$0x18400] =	vst v63  }
0xf9: {  	v3 =	vperm.xlane v3, v2;
	s17 =	simm.s32 $0xCC00  }
0xfa: {  	[tilespmem:s17], [sflag:$0x2] =	stream.indirect_vreg.gather [hbm4b:s5+s3], $0x80, v4, vm0, $0xb8;
	[tilespmem:$0x18400] =	vst v63  }
0xfb: {  	v3 =	vadd.s32 v1, v3;
	s17 =	simm.s32 $0xD400  }
0xfc: {  	[tilespmem:s17], [sflag:$0x2] =	stream.indirect_vreg.gather [hbm4b:s6+s3], $0x80, v4, vm0, $0xb8;
	[tilespmem:$0x18400] =	vst v63  }
0xfd: {  	s17 =	simm.s32 $0xDC00  }
0xfe: {  	[tilespmem:s17], [sflag:$0x2] =	stream.indirect_vreg.gather [hbm4b:s7+s3], $0x80, v4, vm0, $0xb8;
	[tilespmem:$0x18400] =	vst v63  }
0xff: {  	s17 =	simm.s32 $0xE400  }
0x100: {  	[tilespmem:s17], [sflag:$0x2] =	stream.indirect_vreg.gather [hbm4b:s2+s3], $0x80, v3, vm0, $0xb8;
	[tilespmem:$0x18400] =	vst v63  }
0x101: {  	s17 =	simm.s32 $0xEC00  }
0x102: {  	[tilespmem:s17], [sflag:$0x2] =	stream.indirect_vreg.gather [hbm4b:s5+s3], $0x80, v3, vm0, $0xb8;
	[tilespmem:$0x18400] =	vst v63  }
0x103: {  	s17 =	simm.s32 $0xF400  }
0x104: {  	[tilespmem:s17], [sflag:$0x2] =	stream.indirect_vreg.gather [hbm4b:s6+s3], $0x80, v3, vm0, $0xb8;
	[tilespmem:$0x18400] =	vst v63  }
0x105: {  	s17 =	simm.s32 $0xFC00  }
0x106: {  	[tilespmem:s17], [sflag:$0x2] =	stream.indirect_vreg.gather [hbm4b:s7+s3], $0x80, v3, vm0, $0xb8;
	[tilespmem:$0x18400] =	vst v63  }
0x107: {  	_ =	swait.ge [sflag:s22], $0x8000  }
0x108: {  	[sflag:s22] =	ssyncset.done $0x0  }
0x109: {  	s17 =	sadd.s32 $0x3000, s30;
	[sflag:s22] =	ssyncadd.s32 $0xFFFF8000  }
0x10a: {  	[hbm4b:s17+s3] =	stream.linear.scatter [tilespmem:s15], [sflag:$0x4], $0x8000, $0x38;
	[tilespmem:$0x18400] =	vst v63  }
0x10b: {  	_ =	swait.ge [sflag:s14], $0x8000  }
0x10c: {  	[sflag:s14] =	ssyncset.done $0x0  }
0x10d: {  	[sflag:s14] =	ssyncadd.s32 $0xFFFF8000  }
0x10e: {  	v3 =	vld [tilespmem:s29+$0xFFFFFFF0];
	_ =	sdelay $0x4  }
0x10f: {  	v62 =	vshll.u32 v3, $0x3  }
0x110: {  	v3 =	vand.u32 $0x7, v3;
	v4 =	vand.u32 $0xFFFFFFC0, v62  }
0x111: {  	v3 =	vor.u32 v3, v4  }
0x112: {  	v4 =	vperm.xlane v3, v0;
	_ =	sdelay $0x1  }
0x113: {  	v4 =	vadd.s32 v1, v4;
	_ =	sdelay $0x4  }
0x114: {  	[tilespmem:s23], [sflag:$0x3] =	stream.indirect_vreg.gather [hbm4b:s2+s3], $0x80, v4, vm0, $0xb8;
	[tilespmem:$0x18400] =	vst v63  }
0x115: {  	s17 =	simm.s32 $0x10C00;
	v3 =	vperm.xlane v3, v2  }
0x116: {  	[tilespmem:s17], [sflag:$0x3] =	stream.indirect_vreg.gather [hbm4b:s5+s3], $0x80, v4, vm0, $0xb8;
	[tilespmem:$0x18400] =	vst v63  }
0x117: {  	s30 =	simm.s32 $0x11400;
	v3 =	vadd.s32 v1, v3  }
0x118: {  	[tilespmem:s30], [sflag:$0x3] =	stream.indirect_vreg.gather [hbm4b:s6+s3], $0x80, v4, vm0, $0xb8;
	[tilespmem:$0x18400] =	vst v63  }
0x119: {  	_ = 	snop  }
0x11a: {  	[tilespmem:s31], [sflag:$0x3] =	stream.indirect_vreg.gather [hbm4b:s7+s3], $0x80, v4, vm0, $0xb8;
	[tilespmem:$0x18400] =	vst v63  }
0x11b: {  	_ = 	snop  }
0x11c: {  	[tilespmem:s18], [sflag:$0x3] =	stream.indirect_vreg.gather [hbm4b:s2+s3], $0x80, v3, vm0, $0xb8;
	[tilespmem:$0x18400] =	vst v63  }
0x11d: {  	_ = 	snop  }
0x11e: {  	[tilespmem:s19], [sflag:$0x3] =	stream.indirect_vreg.gather [hbm4b:s5+s3], $0x80, v3, vm0, $0xb8;
	[tilespmem:$0x18400] =	vst v63  }
0x11f: {  	_ = 	snop  }
0x120: {  	[tilespmem:s1], [sflag:$0x3] =	stream.indirect_vreg.gather [hbm4b:s6+s3], $0x80, v3, vm0, $0xb8;
	[tilespmem:$0x18400] =	vst v63  }
0x121: {  	_ = 	snop  }
0x122: {  	[tilespmem:s20], [sflag:$0x3] =	stream.indirect_vreg.gather [hbm4b:s7+s3], $0x80, v3, vm0, $0xb8;
	[tilespmem:$0x18400] =	vst v63  }
0x123: {  	v3 =	vld [tilespmem:s29+$0x0];
	_ =	sdelay $0x4  }
0x124: {  	v63 =	vshll.u32 v3, $0x3  }
0x125: {  	v3 =	vand.u32 $0x7, v3;
	v4 =	vand.u32 $0xFFFFFFC0, v63  }
0x126: {  	v3 =	vor.u32 v3, v4  }
0x127: {  	v4 =	vperm.xlane v3, v0;
	_ =	sdelay $0x1  }
0x128: {  	v4 =	vadd.s32 v1, v4;
	_ =	sdelay $0x4  }
0x129: {  	[tilespmem:s4], [sflag:$0x3] =	stream.indirect_vreg.gather [hbm4b:s2+s3], $0x80, v4, vm0, $0xb8;
	[tilespmem:$0x18400] =	vst v63  }
0x12a: {  	v3 =	vperm.xlane v3, v2  }
0x12b: {  	[tilespmem:s21], [sflag:$0x3] =	stream.indirect_vreg.gather [hbm4b:s5+s3], $0x80, v4, vm0, $0xb8;
	[tilespmem:$0x18400] =	vst v63  }
0x12c: {  	v3 =	vadd.s32 v1, v3  }
0x12d: {  	[tilespmem:s9], [sflag:$0x3] =	stream.indirect_vreg.gather [hbm4b:s6+s3], $0x80, v4, vm0, $0xb8;
	[tilespmem:$0x18400] =	vst v63  }
0x12e: {  	_ = 	snop  }
0x12f: {  	[tilespmem:s10], [sflag:$0x3] =	stream.indirect_vreg.gather [hbm4b:s7+s3], $0x80, v4, vm0, $0xb8;
	[tilespmem:$0x18400] =	vst v63  }
0x130: {  	_ = 	snop  }
0x131: {  	[tilespmem:s11], [sflag:$0x3] =	stream.indirect_vreg.gather [hbm4b:s2+s3], $0x80, v3, vm0, $0xb8;
	[tilespmem:$0x18400] =	vst v63  }
0x132: {  	p0 =	sne.s32 s16, $0x18000  }
0x133: {  	[tilespmem:s24], [sflag:$0x3] =	stream.indirect_vreg.gather [hbm4b:s5+s3], $0x80, v3, vm0, $0xb8;
	[tilespmem:$0x18400] =	vst v63  }
.Ltmp0:
0x134: {  	_ = 	snop;
	(pc) =	sbr.rel @p0 .LBB2_2-.Ltmp0, $4  }
0x135: {  	_ = 	snop  }
0x136: {  	[tilespmem:s12], [sflag:$0x3] =	stream.indirect_vreg.gather [hbm4b:s6+s3], $0x80, v3, vm0, $0xb8;
	[tilespmem:$0x18400] =	vst v63  }
0x137: {  	s16 =	sadd.s32 $0x3000, s16;
	s29 =	sadd.s32 $0x60, s29  }
0x138: {  	[tilespmem:s25], [sflag:$0x3] =	stream.indirect_vreg.gather [hbm4b:s7+s3], $0x80, v3, vm0, $0xb8;
	[tilespmem:$0x18400] =	vst v63  }
0x139: {  	_ =	swait.ge [sflag:s13], $0x8000  }
0x13a: {  	[sflag:s13] =	ssyncset.done $0x0  }
0x13b: {  	s16 =	rddreg [dreg:$0x7];
	[sflag:s13] =	ssyncadd.s32 $0xFFFF8000  }
0x13c: {  	[hbm4b:s16+s3] =	stream.linear.scatter [tilespmem:s0], [sflag:$0x5], $0x8000, $0x38;
	[tilespmem:$0x18400] =	vst v63  }
0x13d: {  	_ =	swait.ge [sflag:s26], $0x8000  }
0x13e: {  	[sflag:s26] =	ssyncset.done $0x0  }
0x13f: {  	[sflag:s26] =	ssyncadd.s32 $0xFFFF8000  }
0x140: {  	v3 =	vld [tilespmem:$0x3C0];
	_ =	sdelay $0x4  }
0x141: {  	v4 =	vshll.u32 v3, $0x3  }
0x142: {  	v3 =	vand.u32 $0x7, v3;
	v4 =	vand.u32 $0xFFFFFFC0, v4  }
0x143: {  	v3 =	vor.u32 v3, v4  }
0x144: {  	v4 =	vperm.xlane v3, v0;
	_ =	sdelay $0x1  }
0x145: {  	v4 =	vadd.s32 v1, v4;
	_ =	sdelay $0x4  }
0x146: {  	[tilespmem:s15], [sflag:$0x1] =	stream.indirect_vreg.gather [hbm4b:s2+s3], $0x80, v4, vm0, $0xb8;
	[tilespmem:$0x18400] =	vst v63  }
0x147: {  	s19 =	simm.s32 $0xC00;
	v3 =	vperm.xlane v3, v2  }
0x148: {  	[tilespmem:s19], [sflag:$0x1] =	stream.indirect_vreg.gather [hbm4b:s5+s3], $0x80, v4, vm0, $0xb8;
	[tilespmem:$0x18400] =	vst v63  }
0x149: {  	s20 =	simm.s32 $0x1400;
	v3 =	vadd.s32 v1, v3  }
0x14a: {  	[tilespmem:s20], [sflag:$0x1] =	stream.indirect_vreg.gather [hbm4b:s6+s3], $0x80, v4, vm0, $0xb8;
	[tilespmem:$0x18400] =	vst v63  }
0x14b: {  	s21 =	simm.s32 $0x1C00  }
0x14c: {  	[tilespmem:s21], [sflag:$0x1] =	stream.indirect_vreg.gather [hbm4b:s7+s3], $0x80, v4, vm0, $0xb8;
	[tilespmem:$0x18400] =	vst v63  }
0x14d: {  	s1 =	simm.s32 $0x2400  }
0x14e: {  	[tilespmem:s1], [sflag:$0x1] =	stream.indirect_vreg.gather [hbm4b:s2+s3], $0x80, v3, vm0, $0xb8;
	[tilespmem:$0x18400] =	vst v63  }
0x14f: {  	s4 =	simm.s32 $0x2C00  }
0x150: {  	[tilespmem:s4], [sflag:$0x1] =	stream.indirect_vreg.gather [hbm4b:s5+s3], $0x80, v3, vm0, $0xb8;
	[tilespmem:$0x18400] =	vst v63  }
0x151: {  	s18 =	simm.s32 $0x3400  }
0x152: {  	[tilespmem:s18], [sflag:$0x1] =	stream.indirect_vreg.gather [hbm4b:s6+s3], $0x80, v3, vm0, $0xb8;
	[tilespmem:$0x18400] =	vst v63  }
0x153: {  	s19 =	simm.s32 $0x3C00  }
0x154: {  	[tilespmem:s19], [sflag:$0x1] =	stream.indirect_vreg.gather [hbm4b:s7+s3], $0x80, v3, vm0, $0xb8;
	[tilespmem:$0x18400] =	vst v63  }
0x155: {  	v3 =	vld [tilespmem:$0x3D0];
	_ =	sdelay $0x4  }
0x156: {  	v61 =	vshll.u32 v3, $0x3  }
0x157: {  	v3 =	vand.u32 $0x7, v3;
	v4 =	vand.u32 $0xFFFFFFC0, v61  }
0x158: {  	v3 =	vor.u32 v3, v4  }
0x159: {  	v4 =	vperm.xlane v3, v0;
	_ =	sdelay $0x1  }
0x15a: {  	v4 =	vadd.s32 v1, v4;
	_ =	sdelay $0x3  }
0x15b: {  	s20 =	simm.s32 $0x4400  }
0x15c: {  	[tilespmem:s20], [sflag:$0x1] =	stream.indirect_vreg.gather [hbm4b:s2+s3], $0x80, v4, vm0, $0xb8;
	[tilespmem:$0x18400] =	vst v63  }
0x15d: {  	s21 =	simm.s32 $0x4C00;
	v3 =	vperm.xlane v3, v2  }
0x15e: {  	[tilespmem:s21], [sflag:$0x1] =	stream.indirect_vreg.gather [hbm4b:s5+s3], $0x80, v4, vm0, $0xb8;
	[tilespmem:$0x18400] =	vst v63  }
0x15f: {  	s1 =	simm.s32 $0x5400;
	v3 =	vadd.s32 v1, v3  }
0x160: {  	[tilespmem:s1], [sflag:$0x1] =	stream.indirect_vreg.gather [hbm4b:s6+s3], $0x80, v4, vm0, $0xb8;
	[tilespmem:$0x18400] =	vst v63  }
0x161: {  	s4 =	simm.s32 $0x5C00  }
0x162: {  	[tilespmem:s4], [sflag:$0x1] =	stream.indirect_vreg.gather [hbm4b:s7+s3], $0x80, v4, vm0, $0xb8;
	[tilespmem:$0x18400] =	vst v63  }
0x163: {  	s18 =	simm.s32 $0x6400  }
0x164: {  	[tilespmem:s18], [sflag:$0x1] =	stream.indirect_vreg.gather [hbm4b:s2+s3], $0x80, v3, vm0, $0xb8;
	[tilespmem:$0x18400] =	vst v63  }
0x165: {  	s19 =	simm.s32 $0x6C00  }
0x166: {  	[tilespmem:s19], [sflag:$0x1] =	stream.indirect_vreg.gather [hbm4b:s5+s3], $0x80, v3, vm0, $0xb8;
	[tilespmem:$0x18400] =	vst v63  }
0x167: {  	s20 =	simm.s32 $0x7400  }
0x168: {  	[tilespmem:s20], [sflag:$0x1] =	stream.indirect_vreg.gather [hbm4b:s6+s3], $0x80, v3, vm0, $0xb8;
	[tilespmem:$0x18400] =	vst v63  }
0x169: {  	s21 =	simm.s32 $0x7C00  }
0x16a: {  	[tilespmem:s21], [sflag:$0x1] =	stream.indirect_vreg.gather [hbm4b:s7+s3], $0x80, v3, vm0, $0xb8;
	[tilespmem:$0x18400] =	vst v63  }
0x16b: {  	_ =	swait.ge [sflag:s8], $0x8000  }
0x16c: {  	[sflag:s8] =	ssyncset.done $0x0  }
0x16d: {  	s1 =	rddreg [dreg:$0x8];
	[sflag:s8] =	ssyncadd.s32 $0xFFFF8000  }
0x16e: {  	[hbm4b:s1+s3] =	stream.linear.scatter [tilespmem:s23], [sflag:$0x6], $0x8000, $0x38;
	[tilespmem:$0x18400] =	vst v63  }
0x16f: {  	_ =	swait.ge [sflag:s28], $0x8000  }
0x170: {  	[sflag:s28] =	ssyncset.done $0x0  }
0x171: {  	[sflag:s28] =	ssyncadd.s32 $0xFFFF8000  }
0x172: {  	v3 =	vld [tilespmem:$0x3E0];
	_ =	sdelay $0x4  }
0x173: {  	v62 =	vshll.u32 v3, $0x3  }
0x174: {  	v3 =	vand.u32 $0x7, v3;
	v4 =	vand.u32 $0xFFFFFFC0, v62  }
0x175: {  	v3 =	vor.u32 v3, v4  }
0x176: {  	v4 =	vperm.xlane v3, v0;
	_ =	sdelay $0x1  }
0x177: {  	v4 =	vadd.s32 v1, v4;
	_ =	sdelay $0x4  }
0x178: {  	[tilespmem:s0], [sflag:$0x2] =	stream.indirect_vreg.gather [hbm4b:s2+s3], $0x80, v4, vm0, $0xb8;
	[tilespmem:$0x18400] =	vst v63  }
0x179: {  	s4 =	simm.s32 $0x8C00;
	v3 =	vperm.xlane v3, v2  }
0x17a: {  	[tilespmem:s4], [sflag:$0x2] =	stream.indirect_vreg.gather [hbm4b:s5+s3], $0x80, v4, vm0, $0xb8;
	[tilespmem:$0x18400] =	vst v63  }
0x17b: {  	s18 =	simm.s32 $0x9400;
	v3 =	vadd.s32 v1, v3  }
0x17c: {  	[tilespmem:s18], [sflag:$0x2] =	stream.indirect_vreg.gather [hbm4b:s6+s3], $0x80, v4, vm0, $0xb8;
	[tilespmem:$0x18400] =	vst v63  }
0x17d: {  	s19 =	simm.s32 $0x9C00  }
0x17e: {  	[tilespmem:s19], [sflag:$0x2] =	stream.indirect_vreg.gather [hbm4b:s7+s3], $0x80, v4, vm0, $0xb8;
	[tilespmem:$0x18400] =	vst v63  }
0x17f: {  	s20 =	simm.s32 $0xA400  }
0x180: {  	[tilespmem:s20], [sflag:$0x2] =	stream.indirect_vreg.gather [hbm4b:s2+s3], $0x80, v3, vm0, $0xb8;
	[tilespmem:$0x18400] =	vst v63  }
0x181: {  	s21 =	simm.s32 $0xAC00  }
0x182: {  	[tilespmem:s21], [sflag:$0x2] =	stream.indirect_vreg.gather [hbm4b:s5+s3], $0x80, v3, vm0, $0xb8;
	[tilespmem:$0x18400] =	vst v63  }
0x183: {  	s1 =	simm.s32 $0xB400  }
0x184: {  	[tilespmem:s1], [sflag:$0x2] =	stream.indirect_vreg.gather [hbm4b:s6+s3], $0x80, v3, vm0, $0xb8;
	[tilespmem:$0x18400] =	vst v63  }
0x185: {  	s4 =	simm.s32 $0xBC00  }
0x186: {  	[tilespmem:s4], [sflag:$0x2] =	stream.indirect_vreg.gather [hbm4b:s7+s3], $0x80, v3, vm0, $0xb8;
	[tilespmem:$0x18400] =	vst v63  }
0x187: {  	v3 =	vld [tilespmem:$0x3F0];
	_ =	sdelay $0x4  }
0x188: {  	v63 =	vshll.u32 v3, $0x3  }
0x189: {  	v3 =	vand.u32 $0x7, v3;
	v4 =	vand.u32 $0xFFFFFFC0, v63  }
0x18a: {  	v3 =	vor.u32 v3, v4  }
0x18b: {  	v4 =	vperm.xlane v3, v0;
	_ =	sdelay $0x1  }
0x18c: {  	v4 =	vadd.s32 v1, v4;
	_ =	sdelay $0x3  }
0x18d: {  	s18 =	simm.s32 $0xC400  }
0x18e: {  	[tilespmem:s18], [sflag:$0x2] =	stream.indirect_vreg.gather [hbm4b:s2+s3], $0x80, v4, vm0, $0xb8;
	[tilespmem:$0x18400] =	vst v63  }
0x18f: {  	s19 =	simm.s32 $0xCC00;
	v3 =	vperm.xlane v3, v2  }
0x190: {  	[tilespmem:s19], [sflag:$0x2] =	stream.indirect_vreg.gather [hbm4b:s5+s3], $0x80, v4, vm0, $0xb8;
	[tilespmem:$0x18400] =	vst v63  }
0x191: {  	s20 =	simm.s32 $0xD400;
	v3 =	vadd.s32 v1, v3  }
0x192: {  	[tilespmem:s20], [sflag:$0x2] =	stream.indirect_vreg.gather [hbm4b:s6+s3], $0x80, v4, vm0, $0xb8;
	[tilespmem:$0x18400] =	vst v63  }
0x193: {  	s21 =	simm.s32 $0xDC00  }
0x194: {  	[tilespmem:s21], [sflag:$0x2] =	stream.indirect_vreg.gather [hbm4b:s7+s3], $0x80, v4, vm0, $0xb8;
	[tilespmem:$0x18400] =	vst v63  }
0x195: {  	s1 =	simm.s32 $0xE400  }
0x196: {  	[tilespmem:s1], [sflag:$0x2] =	stream.indirect_vreg.gather [hbm4b:s2+s3], $0x80, v3, vm0, $0xb8;
	[tilespmem:$0x18400] =	vst v63  }
0x197: {  	s4 =	simm.s32 $0xEC00  }
0x198: {  	[tilespmem:s4], [sflag:$0x2] =	stream.indirect_vreg.gather [hbm4b:s5+s3], $0x80, v3, vm0, $0xb8;
	[tilespmem:$0x18400] =	vst v63  }
0x199: {  	s1 =	simm.s32 $0xF400  }
0x19a: {  	[tilespmem:s1], [sflag:$0x2] =	stream.indirect_vreg.gather [hbm4b:s6+s3], $0x80, v3, vm0, $0xb8;
	[tilespmem:$0x18400] =	vst v63  }
0x19b: {  	s18 =	simm.s32 $0xFC00  }
0x19c: {  	[tilespmem:s18], [sflag:$0x2] =	stream.indirect_vreg.gather [hbm4b:s7+s3], $0x80, v3, vm0, $0xb8;
	[tilespmem:$0x18400] =	vst v63  }
0x19d: {  	_ =	swait.ge [sflag:s22], $0x8000  }
0x19e: {  	[sflag:s22] =	ssyncset.done $0x0  }
0x19f: {  	s19 =	rddreg [dreg:$0x9];
	[sflag:s22] =	ssyncadd.s32 $0xFFFF8000  }
0x1a0: {  	[hbm4b:s19+s3] =	stream.linear.scatter [tilespmem:s15], [sflag:$0x4], $0x8000, $0x38;
	[tilespmem:$0x18400] =	vst v63  }
0x1a1: {  	_ =	swait.ge [sflag:s13], $0x8000  }
0x1a2: {  	[sflag:s13] =	ssyncset.done $0x0  }
0x1a3: {  	s20 =	rddreg [dreg:$0xa];
	[sflag:s13] =	ssyncadd.s32 $0xFFFF8000  }
0x1a4: {  	[hbm4b:s20+s3] =	stream.linear.scatter [tilespmem:s0], [sflag:$0x5], $0x8000, $0x38;
	[tilespmem:$0x18400] =	vst v63  }
0x1a5: {  	_ =	swait.ge [sflag:s14], $0x8000  }
0x1a6: {  	[sflag:s14] =	ssyncset.done $0x0  }
0x1a7: {  	[sflag:s14] =	ssyncadd.s32 $0xFFFF8000  }
0x1a8: {  	_ =	swait.ge [sflag:s26], $0x8000  }
0x1a9: {  	[sflag:s26] =	ssyncset.done $0x0  }
0x1aa: {  	[sflag:s26] =	ssyncadd.s32 $0xFFFF8000  }
0x1ab: {  	_ =	swait.ge [sflag:s28], $0x8000  }
0x1ac: {  	s31 =	rddreg [dreg:$0xc]  }
0x1ad: {  	s21 =	rddreg [dreg:$0xb];
	s31 =	sadd.s32 $0x1, s31  }
0x1ae: {  	p0 =	sne.s32 s31, s21  }
.Ltmp1:
0x1af: {  	_ = 	snop;
	(pc) =	sbr.rel @p0 .LBB2_1-.Ltmp1, $4  }
0x1b0: {  	_ = 	snop  }
0x1b1: {  	s29 =	simm.s32 $0x11C00;
	s4 =	simm.s32 $0x14400;
	s1 =	simm.s32 $0x13400  }
0x1b2: {  	s18 =	simm.s32 $0x12400;
	s19 =	simm.s32 $0x12C00;
	[sflag:s28] =	ssyncset.done $0x0  }
0x1b3: {  	s20 =	simm.s32 $0x13C00;
	[sflag:s28] =	ssyncadd.s32 $0xFFFF8000;
	s21 =	simm.s32 $0x14C00  }
0x1b4: {  	_ =	sfence.sel $0x180000  }
0x1b5: {  	[bflag:$0x0] =	sbarrier.arrive $0xFFFF  }
0x1b6: {  	_ =	strace $0x90000047  }
0x1b7: {  	s0 =	stileid.u32;
	[bflag:$0x2] =	sbarrier.arrive $0xFFFF  }
0x1b8: {  	p0 =	sne.s32 s0, $0x0;
	s0 =	rddreg [dreg:$0x3]  }
0x1b9: {  	s0 =	sadd.s32 @!p0 $0x100000, s0  }
0x1ba: {  	[sflag:s0] =	ssyncadd.tile.s32 @!p0 $0x1;
	_ =	shalt  }
.Lfunc_end2:
_tile_overlayer_lowered:
.L_overlay_start_2:
0x1bb: {  	(tag) =	ssettag $0x2  }
0x1bc: {  	s0 =	rddreg [dreg:$0x0];
	s2 =	stileid.u32  }
0x1bd: {  	s1 =	rddreg [dreg:$0x1];
	p0 =	sne.s32 s2, $0x0  }
0x1be: {  	s3 =	rddreg [dreg:$0x2];
	[bflag:$0x3] =	sbarrier.arrive $0xFFFF;
	s2 =	simm.s32 @!p0 $0x1C07  }
0x1bf: {  	[timem:s3], [sflag:s2] =	dma.local @!p0 [hbm:s0], s1  }
0x1c0: {  	s0 =	simm.s32 @!p0 $0x7  }
0x1c1: {  	_ =	swait.ge @!p0 [sflag:s0], s1  }
0x1c2: {  	s1 =	ssub.s32 @!p0 $0x0, s1;
	[sflag:s0] =	ssyncset.done @!p0 $0x0  }
0x1c3: {  	[sflag:s0] =	ssyncadd.s32 @!p0 s1  }
0x1c4: {  	[bflag:$0x3] =	sbarrier.arrive $0xFFFF  }
0x1c5: {  	_ =	shalt  }

</sc_bundles>
